<compile_context>
chip_gen: v7x
topology: tpu7x:2x2x1
jax: 0.10.2.dev20260603
libtpu: 0.0.44.dev20260713+nightly
codegen_flags: <defaults>
</compile_context>

<pallas_src>
import functools

import jax
import jax.numpy as jnp
from jax import lax
from jax.experimental import pallas as pl
from jax.experimental.pallas import tpu as pltpu
from jax.experimental.pallas import tpu_sc as plsc

N_NODES = 10000
N_EDGES = 320000
D = 128
SLOPE = 0.01

NC = 2
NS = 16
NW = NC * NS
EPW = N_EDGES // NW
CH = 80
NCHUNK = EPW // CH
NZCH = N_NODES // CH
NIS = 4
NMAIN = (NCHUNK - 1) // NIS * NIS


def _sc_accumulate(eidx, x):
    mesh = plsc.VectorSubcoreMesh(core_axis_name="c", subcore_axis_name="s")

    @functools.partial(
        pl.kernel,
        mesh=mesh,
        out_type=[
            jax.ShapeDtypeStruct((NC, N_NODES, D), jnp.float32),
            jax.ShapeDtypeStruct((NC, N_NODES, D), jnp.float32),
        ],
        scratch_types=[
            pltpu.VMEM((NIS, 2, CH), jnp.int32),
            pltpu.VMEM((2, CH), jnp.int32),
            pltpu.VMEM((CH,), jnp.int32),
            pltpu.VMEM((2, CH, D), jnp.float32),
            pltpu.VMEM_SHARED((N_NODES, D), jnp.float32),
            pltpu.SemaphoreType.DMA,
            pltpu.SemaphoreType.DMA,
            pltpu.SemaphoreType.DMA,
            pltpu.SemaphoreType.DMA,
            pltpu.SemaphoreType.DMA,
            pltpu.SemaphoreType.DMA,
            pltpu.SemaphoreType.DMA,
        ],
    )
    def acc_kernel(eidx_hbm, x_hbm, sum_hbm, cnt_hbm,
                   eblk, dblk, idx_v, rows, acc_sh,
                   isem0, isem1, isem2, isem3, gsem0, gsem1, ssem):
        cid = lax.axis_index("c")
        sid = lax.axis_index("s")
        wid = cid * NS + sid
        cbase = wid * NCHUNK
        isems = (isem0, isem1, isem2, isem3)
        gsems = (gsem0, gsem1)

        def fill(buf, value):
            @pl.loop(0, CH)
            def _(i):
                @pl.loop(0, D, step=16)
                def _(j):
                    buf[i, pl.ds(j, 16)] = jnp.full((16,), value, jnp.float32)

        def fill_idx_v(r):
            @pl.loop(0, CH, step=16)
            def _(j):
                idx_v[pl.ds(j, 16)] = jnp.arange(16, dtype=jnp.int32) + (r + j)

        def zero_acc(zsrc):
            @pl.loop(sid, NZCH, step=NS)
            def _(k):
                fill_idx_v(k * CH)
                pltpu.sync_copy(zsrc, acc_sh.at[idx_v])

        def write_out(dst_hbm_ref):
            @pl.loop(sid, NZCH, step=NS)
            def _(k):
                r = k * CH
                fill_idx_v(r)
                pltpu.sync_copy(acc_sh.at[idx_v], rows.at[1])
                pltpu.sync_copy(rows.at[1], dst_hbm_ref.at[cid, pl.ds(r, CH)])

        def fetch_idx(c, islot):
            pltpu.async_copy(eidx_hbm.at[cbase + c], eblk.at[islot],
                             isems[islot])

        def wait_idx(islot):
            pltpu.make_async_copy(eidx_hbm.at[0], eblk.at[islot],
                                  isems[islot]).wait()

        def wait_scatter():
            pltpu.make_async_copy(rows.at[0], acc_sh.at[eblk.at[0, 1]],
                                  ssem).wait()

        def prime(zsrc):
            for q in range(NIS):
                fetch_idx(q, q)
            fill_idx_v(0)
            pltpu.async_copy(zsrc, acc_sh.at[idx_v], ssem, add=True)

        def drain_tail():
            wait_scatter()
            wait_idx((NCHUNK + 1) % NIS)

        fill(rows.at[0], 0.0)
        fill(rows.at[1], 0.0)
        zero_acc(rows.at[0])
        plsc.subcore_barrier()

        def p1_slot(c, q):
            par = q % 2
            islot = q % NIS
            wait_idx(islot)
            g = pltpu.async_copy(x_hbm.at[eblk.at[islot, 0]], rows.at[par],
                                 gsems[par])
            fetch_idx(c + 2, (q + 2) % NIS)
            g.wait()
            wait_scatter()
            pltpu.async_copy(rows.at[par], acc_sh.at[eblk.at[islot, 1]],
                             ssem, add=True)

        prime(rows.at[0])

        @pl.loop(0, NMAIN, step=NIS)
        def _(k):
            for q in range(NIS):
                p1_slot(k + q, q)

        wait_idx((NCHUNK - 1) % NIS)
        g = pltpu.async_copy(x_hbm.at[eblk.at[(NCHUNK - 1) % NIS, 0]],
                             rows.at[0], gsems[0])
        g.wait()
        wait_scatter()
        pltpu.async_copy(rows.at[0], acc_sh.at[eblk.at[(NCHUNK - 1) % NIS, 1]],
                         ssem, add=True)
        drain_tail()

        plsc.subcore_barrier()
        write_out(sum_hbm)
        plsc.subcore_barrier()

        fill(rows.at[0], 1.0)
        fill(rows.at[1], 0.0)
        zero_acc(rows.at[1])
        plsc.subcore_barrier()

        @pl.loop(0, NCHUNK)
        def _(k):
            pltpu.sync_copy(eidx_hbm.at[cbase + k], dblk)
            pltpu.sync_copy(rows.at[0], acc_sh.at[dblk.at[1]], add=True)

        plsc.subcore_barrier()
        write_out(cnt_hbm)

    return acc_kernel(eidx, x)


def _tc_body(sum_ref, cnt_ref, x_ref, wl_ref, bl_ref, wr_ref, o_ref):
    s = sum_ref[0] + sum_ref[1]
    deg = cnt_ref[0, :, 0] + cnt_ref[1, :, 0]
    aggr = s / jnp.clip(deg, 1.0, None)[:, None]
    out = (
        lax.dot_general(aggr, wl_ref[...], (((1,), (1,)), ((), ())),
                        preferred_element_type=jnp.float32)
        + bl_ref[...]
        + lax.dot_general(x_ref[...], wr_ref[...], (((1,), (1,)), ((), ())),
                          preferred_element_type=jnp.float32)
    )
    o_ref[...] = jnp.where(out >= 0, out, SLOPE * out)


def _tc_epilogue(sums, cnts, x, W_l, b_l, W_r):
    BN = 2000
    return pl.pallas_call(
        _tc_body,
        grid=(N_NODES // BN,),
        in_specs=[
            pl.BlockSpec((NC, BN, D), lambda i: (0, i, 0)),
            pl.BlockSpec((NC, BN, D), lambda i: (0, i, 0)),
            pl.BlockSpec((BN, D), lambda i: (i, 0)),
            pl.BlockSpec((D, D), lambda i: (0, 0)),
            pl.BlockSpec((1, D), lambda i: (0, 0)),
            pl.BlockSpec((D, D), lambda i: (0, 0)),
        ],
        out_specs=pl.BlockSpec((BN, D), lambda i: (i, 0)),
        out_shape=jax.ShapeDtypeStruct((N_NODES, D), jnp.float32),
    )(sums, cnts, x, W_l, b_l, W_r)


@jax.jit
def kernel(x, edge_index, W_l, b_l, W_r):
    src = edge_index[0].reshape(NW * NCHUNK, 1, CH)
    dst = edge_index[1].reshape(NW * NCHUNK, 1, CH)
    eidx = jnp.concatenate([src, dst], axis=1)
    eidx = jnp.concatenate(
        [eidx, jnp.zeros((8, 2, CH), jnp.int32)], axis=0)
    sums, cnts = _sc_accumulate(eidx, x)
    return _tc_epilogue(sums, cnts, x, W_l, b_l.reshape(1, D), W_r)

# --- scband reference (transcript-rebuilt; emitter-appended) ---
"""Pipeline reference for scband-gnnsageconv-3693671874806 (READ-ONLY COPY).

The authoritative reference and input builder live on the scoring server;
editing this copy changes nothing except your own understanding.
"""

import jax, jax.numpy as jnp
import numpy as np

N_NODES = 10000
N_EDGES = 320000
D_IN = 128
D_OUT = 128
SLOPE = 0.01

def setup_inputs(seed: int = 0) -> dict:
    key = jax.random.key(seed)
    k1, k2, k3, k4, k5 = jax.random.split(key, 5)
    x = jax.random.normal(k1, (N_NODES, D_IN), dtype=jnp.float32)
    edge_index = jax.random.randint(k2, (2, N_EDGES), 0, N_NODES, dtype=jnp.int32)
    # SAGEConv params: lin_l (applied to aggregated neighbors, with bias), lin_r (applied to root, no bias)
    scale = 1.0 / np.sqrt(D_IN)
    W_l = jax.random.uniform(k3, (D_OUT, D_IN), dtype=jnp.float32, minval=-scale, maxval=scale)
    b_l = jnp.zeros((D_OUT,), dtype=jnp.float32)
    W_r = jax.random.uniform(k4, (D_OUT, D_IN), dtype=jnp.float32, minval=-scale, maxval=scale)
    return {"x": x, "edge_index": edge_index, "W_l": W_l, "b_l": b_l, "W_r": W_r}

def reference(x, edge_index, W_l, b_l, W_r):
    src = edge_index[0]
    dst = edge_index[1]
    # mean aggregation of neighbor (source) features onto destination nodes
    msgs = jnp.take(x, src, axis=0)                                   # gather [E, d]
    summed = jax.ops.segment_sum(msgs, dst, num_segments=N_NODES)     # scatter-add [N, d]
    deg = jax.ops.segment_sum(jnp.ones((N_EDGES,), dtype=jnp.float32), dst, num_segments=N_NODES)
    aggr = summed / jnp.clip(deg, 1.0, None)[:, None]
    # SAGEConv: out = lin_l(aggr) + lin_r(x)
    out = aggr @ W_l.T + b_l + x @ W_r.T
    # LeakyReLU(slope); Dropout is identity in eval mode
    out = jnp.where(out >= 0, out, SLOPE * out)
    return out

if __name__ == "__main__":
    import jax
    _d = setup_inputs()
    print(jax.jit(kernel)(*tuple(_d.values())))

</pallas_src>

<mosaic_0001>
#map = affine_map<(d0, d1) -> (0, 0, 0)>
#map1 = affine_map<(d0, d1) -> (0, 0)>
module attributes {stable_mosaic.version = 14 : i64} {
  func.func @acc_kernel(%arg0: i32, %arg1: i32, %arg2: memref<4008x2x80xi32, #tpu.memory_space<hbm>>, %arg3: memref<10000x128xf32, #tpu.memory_space<hbm>>, %arg4: memref<2x10000x128xf32, #tpu.memory_space<hbm>>, %arg5: memref<2x10000x128xf32, #tpu.memory_space<hbm>>, %arg6: memref<4x2x80xi32, #tpu.memory_space<vmem>>, %arg7: memref<2x80xi32, #tpu.memory_space<vmem>>, %arg8: memref<80xi32, #tpu.memory_space<vmem>>, %arg9: memref<2x80x128xf32, #tpu.memory_space<vmem>>, %arg10: memref<10000x128xf32, #tpu.memory_space<vmem_shared>>, %arg11: memref<!tpu.dma_semaphore, #tpu.memory_space<semaphore_mem>>, %arg12: memref<!tpu.dma_semaphore, #tpu.memory_space<semaphore_mem>>, %arg13: memref<!tpu.dma_semaphore, #tpu.memory_space<semaphore_mem>>, %arg14: memref<!tpu.dma_semaphore, #tpu.memory_space<semaphore_mem>>, %arg15: memref<!tpu.dma_semaphore, #tpu.memory_space<semaphore_mem>>, %arg16: memref<!tpu.dma_semaphore, #tpu.memory_space<semaphore_mem>>, %arg17: memref<!tpu.dma_semaphore, #tpu.memory_space<semaphore_mem>>) attributes {dimension_semantics = [#tpu.dimension_semantics<core_parallel>, #tpu.dimension_semantics<subcore_parallel>], iteration_bounds = array<i64: 2, 16>, scalar_prefetch = 0 : i64, scratch_operands = 12 : i64, tpu.core_type = #tpu.core_type<sc_vector_subcore>, window_params = [{transform_indices = #map}, {transform_indices = #map1}, {transform_indices = #map}, {transform_indices = #map}]} {
    %mul3A = arith.constant 16 : i32
    %mul3A_0 = arith.muli %arg0, %mul3A : i32
    %add3A = arith.addi %mul3A_0, %arg1 : i32
    %mul3A_1 = arith.constant 125 : i32
    %mul3A_2 = arith.muli %add3A, %mul3A_1 : i32
    %scan3A = arith.constant 0 : i32
    %scan3A_3 = arith.constant 0 : i32
    %scan3A_4 = arith.constant 80 : i32
    %scan3A_5 = arith.addi %scan3A_3, %scan3A_4 : i32
    %scan3A_6 = arith.constant 1 : i32
    scf.for %scan3A_299 = %scan3A_3 to %scan3A_5 step %scan3A_6  : i32 {
      %mul3A_300 = arith.constant 1 : i32
      %mul3A_301 = arith.muli %scan3A_299, %mul3A_300 : i32
      %add3A_302 = arith.constant 0 : i32
      %add3A_303 = arith.addi %add3A_302, %mul3A_301 : i32
      %scan3A_304 = arith.constant 0 : i32
      %scan3A_305 = arith.constant 8 : i32
      %scan3A_306 = arith.addi %scan3A_304, %scan3A_305 : i32
      %scan3A_307 = arith.constant 1 : i32
      scf.for %scan3A_309 = %scan3A_304 to %scan3A_306 step %scan3A_307  : i32 {
        %mul3A_310 = arith.constant 16 : i32
        %mul3A_311 = arith.muli %scan3A_309, %mul3A_310 : i32
        %add3A_312 = arith.constant 0 : i32
        %add3A_313 = arith.addi %add3A_312, %mul3A_311 : i32
        %broadcast_in_dim3A = arith.constant 0.000000e+00 : f32
        %broadcast_in_dim3A_314 = vector.broadcast %broadcast_in_dim3A : f32 to vector<16xf32>
        %swap3A = arith.constant 0 : i32
        %swap3A_315 = arith.constant 0 : i32
        %swap3A_316 = tpu.memref_slice %arg9[%scan3A, %swap3A, %swap3A_315] : memref<2x80x128xf32, #tpu.memory_space<vmem>> -> memref<1x80x128xf32, #tpu.memory_space<vmem>>
        %swap3A_317 = tpu.memref_squeeze %swap3A_316 : memref<1x80x128xf32, #tpu.memory_space<vmem>> -> memref<80x128xf32, #tpu.memory_space<vmem>>
        %swap3A_318 = arith.index_cast %add3A_303 : i32 to index
        %swap3A_319 = arith.index_cast %add3A_313 : i32 to index
        %swap3A_320 = tpu.vector_load %swap3A_317[%swap3A_318, %swap3A_319] {strides = array<i32>} : memref<80x128xf32, #tpu.memory_space<vmem>>, vector<1x16xf32>,
        %swap3A_321 = vector.shape_cast %swap3A_320 : vector<1x16xf32> to vector<16xf32>
        %swap3A_322 = vector.shape_cast %broadcast_in_dim3A_314 : vector<16xf32> to vector<1x16xf32>
        tpu.vector_store %swap3A_317[%swap3A_318, %swap3A_319], %swap3A_322 {strides = array<i32>} : memref<80x128xf32, #tpu.memory_space<vmem>>, vector<1x16xf32>,
      }
      %scan3A_308 = arith.constant 8 : i32
    }
    %scan3A_7 = arith.constant 80 : i32
    %scan3A_8 = arith.constant 1 : i32
    %scan3A_9 = arith.constant 0 : i32
    %scan3A_10 = arith.constant 80 : i32
    %scan3A_11 = arith.addi %scan3A_9, %scan3A_10 : i32
    %scan3A_12 = arith.constant 1 : i32
    scf.for %scan3A_299 = %scan3A_9 to %scan3A_11 step %scan3A_12  : i32 {
      %mul3A_300 = arith.constant 1 : i32
      %mul3A_301 = arith.muli %scan3A_299, %mul3A_300 : i32
      %add3A_302 = arith.constant 0 : i32
      %add3A_303 = arith.addi %add3A_302, %mul3A_301 : i32
      %scan3A_304 = arith.constant 0 : i32
      %scan3A_305 = arith.constant 8 : i32
      %scan3A_306 = arith.addi %scan3A_304, %scan3A_305 : i32
      %scan3A_307 = arith.constant 1 : i32
      scf.for %scan3A_309 = %scan3A_304 to %scan3A_306 step %scan3A_307  : i32 {
        %mul3A_310 = arith.constant 16 : i32
        %mul3A_311 = arith.muli %scan3A_309, %mul3A_310 : i32
        %add3A_312 = arith.constant 0 : i32
        %add3A_313 = arith.addi %add3A_312, %mul3A_311 : i32
        %broadcast_in_dim3A = arith.constant 0.000000e+00 : f32
        %broadcast_in_dim3A_314 = vector.broadcast %broadcast_in_dim3A : f32 to vector<16xf32>
        %swap3A = arith.constant 0 : i32
        %swap3A_315 = arith.constant 0 : i32
        %swap3A_316 = tpu.memref_slice %arg9[%scan3A_8, %swap3A, %swap3A_315] : memref<2x80x128xf32, #tpu.memory_space<vmem>> -> memref<1x80x128xf32, #tpu.memory_space<vmem>>
        %swap3A_317 = tpu.memref_squeeze %swap3A_316 : memref<1x80x128xf32, #tpu.memory_space<vmem>> -> memref<80x128xf32, #tpu.memory_space<vmem>>
        %swap3A_318 = arith.index_cast %add3A_303 : i32 to index
        %swap3A_319 = arith.index_cast %add3A_313 : i32 to index
        %swap3A_320 = tpu.vector_load %swap3A_317[%swap3A_318, %swap3A_319] {strides = array<i32>} : memref<80x128xf32, #tpu.memory_space<vmem>>, vector<1x16xf32>,
        %swap3A_321 = vector.shape_cast %swap3A_320 : vector<1x16xf32> to vector<16xf32>
        %swap3A_322 = vector.shape_cast %broadcast_in_dim3A_314 : vector<16xf32> to vector<1x16xf32>
        tpu.vector_store %swap3A_317[%swap3A_318, %swap3A_319], %swap3A_322 {strides = array<i32>} : memref<80x128xf32, #tpu.memory_space<vmem>>, vector<1x16xf32>,
      }
      %scan3A_308 = arith.constant 8 : i32
    }
    %scan3A_13 = arith.constant 80 : i32
    %sub3A = arith.constant 125 : i32
    %sub3A_14 = arith.subi %sub3A, %arg1 : i32
    %sub3A_15 = arith.constant 16 : i32
    %sub3A_16 = arith.constant 1 : i32
    %sub3A_17 = arith.subi %sub3A_15, %sub3A_16 : i32
    %add3A_18 = arith.addi %sub3A_14, %sub3A_17 : i32
    %div3A = arith.constant 16 : i32
    %div3A_19 = arith.divsi %add3A_18, %div3A : i32
    %while3A = arith.constant 16 : i32
    %while3A_20 = arith.constant 0 : i32
    %while3A_21 = arith.constant 0 : i32
    %while3A_22 = arith.subi %div3A_19, %while3A_21 : i32
    %while3A_23 = arith.addi %while3A_21, %while3A_22 : i32
    %while3A_24 = arith.constant 1 : i32
    %while3A_25 = arith.divsi %while3A_22, %while3A_24 : i32
    %while3A_26 = arith.muli %while3A_25, %while3A_24 : i32
    %while3A_27 = arith.addi %while3A_21, %while3A_26 : i32
    %while3A_28 = arith.constant 1 : i32
    scf.for %while3A_299 = %while3A_21 to %while3A_27 step %while3A_28  : i32 {
      %mul3A_300 = arith.muli %while3A_299, %while3A : i32
      %add3A_301 = arith.addi %arg1, %mul3A_300 : i32
      %mul3A_302 = arith.constant 80 : i32
      %mul3A_303 = arith.muli %add3A_301, %mul3A_302 : i32
      %scan3A_304 = arith.constant 0 : i32
      %scan3A_305 = arith.constant 5 : i32
      %scan3A_306 = arith.addi %scan3A_304, %scan3A_305 : i32
      %scan3A_307 = arith.constant 1 : i32
      scf.for %scan3A_309 = %scan3A_304 to %scan3A_306 step %scan3A_307  : i32 {
        %mul3A_310 = arith.constant 16 : i32
        %mul3A_311 = arith.muli %scan3A_309, %mul3A_310 : i32
        %add3A_312 = arith.constant 0 : i32
        %add3A_313 = arith.addi %add3A_312, %mul3A_311 : i32
        %iota3A = tpu.iota {dimensions = array<i32: 0>} : vector<16xi32>
        %add3A_314 = arith.addi %mul3A_303, %add3A_313 : i32
        %add3A_315 = vector.broadcast %add3A_314 : i32 to vector<16xi32>
        %add3A_316 = arith.addi %iota3A, %add3A_315 : vector<16xi32>
        %swap3A = arith.index_cast %add3A_313 : i32 to index
        %swap3A_317 = tpu.vector_load %arg8[%swap3A] {strides = array<i32>} : memref<80xi32, #tpu.memory_space<vmem>>, vector<16xi32>,
        %swap3A_318 = vector.shape_cast %swap3A_317 : vector<16xi32> to vector<16xi32>
        %swap3A_319 = vector.shape_cast %add3A_316 : vector<16xi32> to vector<16xi32>
        tpu.vector_store %arg8[%swap3A], %swap3A_319 {strides = array<i32>} : memref<80xi32, #tpu.memory_space<vmem>>, vector<16xi32>,
      }
      %scan3A_308 = arith.constant 5 : i32
      "tpu.region"() ({
        %run_scoped3A = tpu.sem_alloc : memref<!tpu.dma_semaphore, #tpu.memory_space<semaphore_mem>>
        %dma_start3A_309 = arith.constant 0 : i32
        %dma_start3A_310 = arith.constant 0 : i32
        %dma_start3A_311 = tpu.memref_slice %arg9[%while3A_20, %dma_start3A_309, %dma_start3A_310] : memref<2x80x128xf32, #tpu.memory_space<vmem>> -> memref<1x80x128xf32, #tpu.memory_space<vmem>>
        %dma_start3A_312 = tpu.memref_squeeze %dma_start3A_311 : memref<1x80x128xf32, #tpu.memory_space<vmem>> -> memref<80x128xf32, #tpu.memory_space<vmem>>
        %dma_start3A_313 = arith.constant 0 : i32
        %dma_start3A_314 = arith.constant 0 : i32
        %dma_start3A_315 = tpu.memref_slice %arg10[%dma_start3A_313, %dma_start3A_314] : memref<10000x128xf32, #tpu.memory_space<vmem_shared>> -> memref<10000x128xf32, #tpu.memory_space<vmem_shared>>
        tpu.enqueue_indirect_dma source(%dma_start3A_312 : memref<80x128xf32, #tpu.memory_space<vmem>>) target(%dma_start3A_315 : memref<10000x128xf32, #tpu.memory_space<vmem_shared>>) offsets(%arg8 : memref<80xi32, #tpu.memory_space<vmem>>) semaphore(%run_scoped3A : memref<!tpu.dma_semaphore, #tpu.memory_space<semaphore_mem>>)
        %dma_wait3A_316 = arith.constant 0 : i32
        %dma_wait3A_317 = arith.constant 0 : i32
        %dma_wait3A_318 = tpu.memref_slice %arg9[%while3A_20, %dma_wait3A_316, %dma_wait3A_317] : memref<2x80x128xf32, #tpu.memory_space<vmem>> -> memref<1x80x128xf32, #tpu.memory_space<vmem>>
        %dma_wait3A_319 = tpu.memref_squeeze %dma_wait3A_318 : memref<1x80x128xf32, #tpu.memory_space<vmem>> -> memref<80x128xf32, #tpu.memory_space<vmem>>
        %dma_wait3A_320 = arith.constant 0 : i32
        %dma_wait3A_321 = arith.constant 0 : i32
        %dma_wait3A_322 = tpu.memref_slice %arg10[%dma_wait3A_320, %dma_wait3A_321] : memref<10000x128xf32, #tpu.memory_space<vmem_shared>> -> memref<10000x128xf32, #tpu.memory_space<vmem_shared>>
        tpu.wait_indirect_dma semaphore(%run_scoped3A : memref<!tpu.dma_semaphore, #tpu.memory_space<semaphore_mem>>) src(%dma_wait3A_319 : memref<80x128xf32, #tpu.memory_space<vmem>>) dst(%dma_wait3A_322 : memref<10000x128xf32, #tpu.memory_space<vmem_shared>>)
        tpu.yield
      }) : () -> ()
    }
    %while3A_29 = arith.constant 1 : i32
    scf.for %while3A_299 = %while3A_27 to %while3A_23 step %while3A_29  : i32 {
      %mul3A_300 = arith.muli %while3A_299, %while3A : i32
      %add3A_301 = arith.addi %arg1, %mul3A_300 : i32
      %mul3A_302 = arith.constant 80 : i32
      %mul3A_303 = arith.muli %add3A_301, %mul3A_302 : i32
      %scan3A_304 = arith.constant 0 : i32
      %scan3A_305 = arith.constant 5 : i32
      %scan3A_306 = arith.addi %scan3A_304, %scan3A_305 : i32
      %scan3A_307 = arith.constant 1 : i32
      scf.for %scan3A_309 = %scan3A_304 to %scan3A_306 step %scan3A_307  : i32 {
        %mul3A_310 = arith.constant 16 : i32
        %mul3A_311 = arith.muli %scan3A_309, %mul3A_310 : i32
        %add3A_312 = arith.constant 0 : i32
        %add3A_313 = arith.addi %add3A_312, %mul3A_311 : i32
        %iota3A = tpu.iota {dimensions = array<i32: 0>} : vector<16xi32>
        %add3A_314 = arith.addi %mul3A_303, %add3A_313 : i32
        %add3A_315 = vector.broadcast %add3A_314 : i32 to vector<16xi32>
        %add3A_316 = arith.addi %iota3A, %add3A_315 : vector<16xi32>
        %swap3A = arith.index_cast %add3A_313 : i32 to index
        %swap3A_317 = tpu.vector_load %arg8[%swap3A] {strides = array<i32>} : memref<80xi32, #tpu.memory_space<vmem>>, vector<16xi32>,
        %swap3A_318 = vector.shape_cast %swap3A_317 : vector<16xi32> to vector<16xi32>
        %swap3A_319 = vector.shape_cast %add3A_316 : vector<16xi32> to vector<16xi32>
        tpu.vector_store %arg8[%swap3A], %swap3A_319 {strides = array<i32>} : memref<80xi32, #tpu.memory_space<vmem>>, vector<16xi32>,
      }
      %scan3A_308 = arith.constant 5 : i32
      "tpu.region"() ({
        %run_scoped3A = tpu.sem_alloc : memref<!tpu.dma_semaphore, #tpu.memory_space<semaphore_mem>>
        %dma_start3A_309 = arith.constant 0 : i32
        %dma_start3A_310 = arith.constant 0 : i32
        %dma_start3A_311 = tpu.memref_slice %arg9[%while3A_20, %dma_start3A_309, %dma_start3A_310] : memref<2x80x128xf32, #tpu.memory_space<vmem>> -> memref<1x80x128xf32, #tpu.memory_space<vmem>>
        %dma_start3A_312 = tpu.memref_squeeze %dma_start3A_311 : memref<1x80x128xf32, #tpu.memory_space<vmem>> -> memref<80x128xf32, #tpu.memory_space<vmem>>
        %dma_start3A_313 = arith.constant 0 : i32
        %dma_start3A_314 = arith.constant 0 : i32
        %dma_start3A_315 = tpu.memref_slice %arg10[%dma_start3A_313, %dma_start3A_314] : memref<10000x128xf32, #tpu.memory_space<vmem_shared>> -> memref<10000x128xf32, #tpu.memory_space<vmem_shared>>
        tpu.enqueue_indirect_dma source(%dma_start3A_312 : memref<80x128xf32, #tpu.memory_space<vmem>>) target(%dma_start3A_315 : memref<10000x128xf32, #tpu.memory_space<vmem_shared>>) offsets(%arg8 : memref<80xi32, #tpu.memory_space<vmem>>) semaphore(%run_scoped3A : memref<!tpu.dma_semaphore, #tpu.memory_space<semaphore_mem>>)
        %dma_wait3A_316 = arith.constant 0 : i32
        %dma_wait3A_317 = arith.constant 0 : i32
        %dma_wait3A_318 = tpu.memref_slice %arg9[%while3A_20, %dma_wait3A_316, %dma_wait3A_317] : memref<2x80x128xf32, #tpu.memory_space<vmem>> -> memref<1x80x128xf32, #tpu.memory_space<vmem>>
        %dma_wait3A_319 = tpu.memref_squeeze %dma_wait3A_318 : memref<1x80x128xf32, #tpu.memory_space<vmem>> -> memref<80x128xf32, #tpu.memory_space<vmem>>
        %dma_wait3A_320 = arith.constant 0 : i32
        %dma_wait3A_321 = arith.constant 0 : i32
        %dma_wait3A_322 = tpu.memref_slice %arg10[%dma_wait3A_320, %dma_wait3A_321] : memref<10000x128xf32, #tpu.memory_space<vmem_shared>> -> memref<10000x128xf32, #tpu.memory_space<vmem_shared>>
        tpu.wait_indirect_dma semaphore(%run_scoped3A : memref<!tpu.dma_semaphore, #tpu.memory_space<semaphore_mem>>) src(%dma_wait3A_319 : memref<80x128xf32, #tpu.memory_space<vmem>>) dst(%dma_wait3A_322 : memref<10000x128xf32, #tpu.memory_space<vmem_shared>>)
        tpu.yield
      }) : () -> ()
    }
    %barrier3A = arith.constant 0 : index
    tpu.barrier barrier_id(%barrier3A)
    %add3A_30 = arith.constant 0 : i32
    %add3A_31 = arith.addi %mul3A_2, %add3A_30 : i32
    %dma_start3A = arith.constant 0 : i32
    %dma_start3A_32 = arith.constant 0 : i32
    %dma_start3A_33 = arith.constant 0 : i32
    %dma_start3A_34 = tpu.memref_slice %arg6[%dma_start3A, %dma_start3A_32, %dma_start3A_33] : memref<4x2x80xi32, #tpu.memory_space<vmem>> -> memref<1x2x80xi32, #tpu.memory_space<vmem>>
    %dma_start3A_35 = tpu.memref_squeeze %dma_start3A_34 : memref<1x2x80xi32, #tpu.memory_space<vmem>> -> memref<2x80xi32, #tpu.memory_space<vmem>>
    %dma_start3A_36 = arith.constant 0 : i32
    %dma_start3A_37 = arith.constant 0 : i32
    %dma_start3A_38 = tpu.memref_slice %arg2[%add3A_31, %dma_start3A_36, %dma_start3A_37] : memref<4008x2x80xi32, #tpu.memory_space<hbm>> -> memref<1x2x80xi32, #tpu.memory_space<hbm>>
    %dma_start3A_39 = tpu.memref_squeeze %dma_start3A_38 : memref<1x2x80xi32, #tpu.memory_space<hbm>> -> memref<2x80xi32, #tpu.memory_space<hbm>>
    %dma_start3A_40 = arith.constant 0 : i32
    %dma_start3A_41 = arith.constant 0 : i32
    %dma_start3A_42 = tpu.memref_slice %arg6[%dma_start3A, %dma_start3A_40, %dma_start3A_41] : memref<4x2x80xi32, #tpu.memory_space<vmem>> -> memref<1x2x80xi32, #tpu.memory_space<vmem>>
    %dma_start3A_43 = tpu.memref_squeeze %dma_start3A_42 : memref<1x2x80xi32, #tpu.memory_space<vmem>> -> memref<2x80xi32, #tpu.memory_space<vmem>>
    %dma_start3A_44 = arith.constant 0 : i32
    %dma_start3A_45 = arith.constant 0 : i32
    %dma_start3A_46 = tpu.memref_slice %arg2[%add3A_31, %dma_start3A_44, %dma_start3A_45] : memref<4008x2x80xi32, #tpu.memory_space<hbm>> -> memref<1x2x80xi32, #tpu.memory_space<hbm>>
    %dma_start3A_47 = tpu.memref_squeeze %dma_start3A_46 : memref<1x2x80xi32, #tpu.memory_space<hbm>> -> memref<2x80xi32, #tpu.memory_space<hbm>>
    tpu.enqueue_dma source(%dma_start3A_47 : memref<2x80xi32, #tpu.memory_space<hbm>>) target(%dma_start3A_43 : memref<2x80xi32, #tpu.memory_space<vmem>>) target_semaphore(%arg11 : memref<!tpu.dma_semaphore, #tpu.memory_space<semaphore_mem>>)
    %add3A_48 = arith.constant 1 : i32
    %add3A_49 = arith.addi %mul3A_2, %add3A_48 : i32
    %dma_start3A_50 = arith.constant 1 : i32
    %dma_start3A_51 = arith.constant 0 : i32
    %dma_start3A_52 = arith.constant 0 : i32
    %dma_start3A_53 = tpu.memref_slice %arg6[%dma_start3A_50, %dma_start3A_51, %dma_start3A_52] : memref<4x2x80xi32, #tpu.memory_space<vmem>> -> memref<1x2x80xi32, #tpu.memory_space<vmem>>
    %dma_start3A_54 = tpu.memref_squeeze %dma_start3A_53 : memref<1x2x80xi32, #tpu.memory_space<vmem>> -> memref<2x80xi32, #tpu.memory_space<vmem>>
    %dma_start3A_55 = arith.constant 0 : i32
    %dma_start3A_56 = arith.constant 0 : i32
    %dma_start3A_57 = tpu.memref_slice %arg2[%add3A_49, %dma_start3A_55, %dma_start3A_56] : memref<4008x2x80xi32, #tpu.memory_space<hbm>> -> memref<1x2x80xi32, #tpu.memory_space<hbm>>
    %dma_start3A_58 = tpu.memref_squeeze %dma_start3A_57 : memref<1x2x80xi32, #tpu.memory_space<hbm>> -> memref<2x80xi32, #tpu.memory_space<hbm>>
    %dma_start3A_59 = arith.constant 0 : i32
    %dma_start3A_60 = arith.constant 0 : i32
    %dma_start3A_61 = tpu.memref_slice %arg6[%dma_start3A_50, %dma_start3A_59, %dma_start3A_60] : memref<4x2x80xi32, #tpu.memory_space<vmem>> -> memref<1x2x80xi32, #tpu.memory_space<vmem>>
    %dma_start3A_62 = tpu.memref_squeeze %dma_start3A_61 : memref<1x2x80xi32, #tpu.memory_space<vmem>> -> memref<2x80xi32, #tpu.memory_space<vmem>>
    %dma_start3A_63 = arith.constant 0 : i32
    %dma_start3A_64 = arith.constant 0 : i32
    %dma_start3A_65 = tpu.memref_slice %arg2[%add3A_49, %dma_start3A_63, %dma_start3A_64] : memref<4008x2x80xi32, #tpu.memory_space<hbm>> -> memref<1x2x80xi32, #tpu.memory_space<hbm>>
    %dma_start3A_66 = tpu.memref_squeeze %dma_start3A_65 : memref<1x2x80xi32, #tpu.memory_space<hbm>> -> memref<2x80xi32, #tpu.memory_space<hbm>>
    tpu.enqueue_dma source(%dma_start3A_66 : memref<2x80xi32, #tpu.memory_space<hbm>>) target(%dma_start3A_62 : memref<2x80xi32, #tpu.memory_space<vmem>>) target_semaphore(%arg12 : memref<!tpu.dma_semaphore, #tpu.memory_space<semaphore_mem>>)
    %add3A_67 = arith.constant 2 : i32
    %add3A_68 = arith.addi %mul3A_2, %add3A_67 : i32
    %dma_start3A_69 = arith.constant 2 : i32
    %dma_start3A_70 = arith.constant 0 : i32
    %dma_start3A_71 = arith.constant 0 : i32
    %dma_start3A_72 = tpu.memref_slice %arg6[%dma_start3A_69, %dma_start3A_70, %dma_start3A_71] : memref<4x2x80xi32, #tpu.memory_space<vmem>> -> memref<1x2x80xi32, #tpu.memory_space<vmem>>
    %dma_start3A_73 = tpu.memref_squeeze %dma_start3A_72 : memref<1x2x80xi32, #tpu.memory_space<vmem>> -> memref<2x80xi32, #tpu.memory_space<vmem>>
    %dma_start3A_74 = arith.constant 0 : i32
    %dma_start3A_75 = arith.constant 0 : i32
    %dma_start3A_76 = tpu.memref_slice %arg2[%add3A_68, %dma_start3A_74, %dma_start3A_75] : memref<4008x2x80xi32, #tpu.memory_space<hbm>> -> memref<1x2x80xi32, #tpu.memory_space<hbm>>
    %dma_start3A_77 = tpu.memref_squeeze %dma_start3A_76 : memref<1x2x80xi32, #tpu.memory_space<hbm>> -> memref<2x80xi32, #tpu.memory_space<hbm>>
    %dma_start3A_78 = arith.constant 0 : i32
    %dma_start3A_79 = arith.constant 0 : i32
    %dma_start3A_80 = tpu.memref_slice %arg6[%dma_start3A_69, %dma_start3A_78, %dma_start3A_79] : memref<4x2x80xi32, #tpu.memory_space<vmem>> -> memref<1x2x80xi32, #tpu.memory_space<vmem>>
    %dma_start3A_81 = tpu.memref_squeeze %dma_start3A_80 : memref<1x2x80xi32, #tpu.memory_space<vmem>> -> memref<2x80xi32, #tpu.memory_space<vmem>>
    %dma_start3A_82 = arith.constant 0 : i32
    %dma_start3A_83 = arith.constant 0 : i32
    %dma_start3A_84 = tpu.memref_slice %arg2[%add3A_68, %dma_start3A_82, %dma_start3A_83] : memref<4008x2x80xi32, #tpu.memory_space<hbm>> -> memref<1x2x80xi32, #tpu.memory_space<hbm>>
    %dma_start3A_85 = tpu.memref_squeeze %dma_start3A_84 : memref<1x2x80xi32, #tpu.memory_space<hbm>> -> memref<2x80xi32, #tpu.memory_space<hbm>>
    tpu.enqueue_dma source(%dma_start3A_85 : memref<2x80xi32, #tpu.memory_space<hbm>>) target(%dma_start3A_81 : memref<2x80xi32, #tpu.memory_space<vmem>>) target_semaphore(%arg13 : memref<!tpu.dma_semaphore, #tpu.memory_space<semaphore_mem>>)
    %add3A_86 = arith.constant 3 : i32
    %add3A_87 = arith.addi %mul3A_2, %add3A_86 : i32
    %dma_start3A_88 = arith.constant 3 : i32
    %dma_start3A_89 = arith.constant 0 : i32
    %dma_start3A_90 = arith.constant 0 : i32
    %dma_start3A_91 = tpu.memref_slice %arg6[%dma_start3A_88, %dma_start3A_89, %dma_start3A_90] : memref<4x2x80xi32, #tpu.memory_space<vmem>> -> memref<1x2x80xi32, #tpu.memory_space<vmem>>
    %dma_start3A_92 = tpu.memref_squeeze %dma_start3A_91 : memref<1x2x80xi32, #tpu.memory_space<vmem>> -> memref<2x80xi32, #tpu.memory_space<vmem>>
    %dma_start3A_93 = arith.constant 0 : i32
    %dma_start3A_94 = arith.constant 0 : i32
    %dma_start3A_95 = tpu.memref_slice %arg2[%add3A_87, %dma_start3A_93, %dma_start3A_94] : memref<4008x2x80xi32, #tpu.memory_space<hbm>> -> memref<1x2x80xi32, #tpu.memory_space<hbm>>
    %dma_start3A_96 = tpu.memref_squeeze %dma_start3A_95 : memref<1x2x80xi32, #tpu.memory_space<hbm>> -> memref<2x80xi32, #tpu.memory_space<hbm>>
    %dma_start3A_97 = arith.constant 0 : i32
    %dma_start3A_98 = arith.constant 0 : i32
    %dma_start3A_99 = tpu.memref_slice %arg6[%dma_start3A_88, %dma_start3A_97, %dma_start3A_98] : memref<4x2x80xi32, #tpu.memory_space<vmem>> -> memref<1x2x80xi32, #tpu.memory_space<vmem>>
    %dma_start3A_100 = tpu.memref_squeeze %dma_start3A_99 : memref<1x2x80xi32, #tpu.memory_space<vmem>> -> memref<2x80xi32, #tpu.memory_space<vmem>>
    %dma_start3A_101 = arith.constant 0 : i32
    %dma_start3A_102 = arith.constant 0 : i32
    %dma_start3A_103 = tpu.memref_slice %arg2[%add3A_87, %dma_start3A_101, %dma_start3A_102] : memref<4008x2x80xi32, #tpu.memory_space<hbm>> -> memref<1x2x80xi32, #tpu.memory_space<hbm>>
    %dma_start3A_104 = tpu.memref_squeeze %dma_start3A_103 : memref<1x2x80xi32, #tpu.memory_space<hbm>> -> memref<2x80xi32, #tpu.memory_space<hbm>>
    tpu.enqueue_dma source(%dma_start3A_104 : memref<2x80xi32, #tpu.memory_space<hbm>>) target(%dma_start3A_100 : memref<2x80xi32, #tpu.memory_space<vmem>>) target_semaphore(%arg14 : memref<!tpu.dma_semaphore, #tpu.memory_space<semaphore_mem>>)
    %scan3A_105 = arith.constant 0 : i32
    %scan3A_106 = arith.constant 5 : i32
    %scan3A_107 = arith.addi %scan3A_105, %scan3A_106 : i32
    %scan3A_108 = arith.constant 1 : i32
    scf.for %scan3A_299 = %scan3A_105 to %scan3A_107 step %scan3A_108  : i32 {
      %mul3A_300 = arith.constant 16 : i32
      %mul3A_301 = arith.muli %scan3A_299, %mul3A_300 : i32
      %add3A_302 = arith.constant 0 : i32
      %add3A_303 = arith.addi %add3A_302, %mul3A_301 : i32
      %iota3A = tpu.iota {dimensions = array<i32: 0>} : vector<16xi32>
      %add3A_304 = arith.constant 0 : i32
      %add3A_305 = arith.addi %add3A_304, %add3A_303 : i32
      %add3A_306 = vector.broadcast %add3A_305 : i32 to vector<16xi32>
      %add3A_307 = arith.addi %iota3A, %add3A_306 : vector<16xi32>
      %swap3A = arith.index_cast %add3A_303 : i32 to index
      %swap3A_308 = tpu.vector_load %arg8[%swap3A] {strides = array<i32>} : memref<80xi32, #tpu.memory_space<vmem>>, vector<16xi32>,
      %swap3A_309 = vector.shape_cast %swap3A_308 : vector<16xi32> to vector<16xi32>
      %swap3A_310 = vector.shape_cast %add3A_307 : vector<16xi32> to vector<16xi32>
      tpu.vector_store %arg8[%swap3A], %swap3A_310 {strides = array<i32>} : memref<80xi32, #tpu.memory_space<vmem>>, vector<16xi32>,
    }
    %scan3A_109 = arith.constant 5 : i32
    %dma_start3A_110 = arith.constant 0 : i32
    %dma_start3A_111 = arith.constant 0 : i32
    %dma_start3A_112 = arith.constant 0 : i32
    %dma_start3A_113 = tpu.memref_slice %arg9[%dma_start3A_110, %dma_start3A_111, %dma_start3A_112] : memref<2x80x128xf32, #tpu.memory_space<vmem>> -> memref<1x80x128xf32, #tpu.memory_space<vmem>>
    %dma_start3A_114 = tpu.memref_squeeze %dma_start3A_113 : memref<1x80x128xf32, #tpu.memory_space<vmem>> -> memref<80x128xf32, #tpu.memory_space<vmem>>
    %dma_start3A_115 = arith.constant 0 : i32
    %dma_start3A_116 = arith.constant 0 : i32
    %dma_start3A_117 = tpu.memref_slice %arg10[%dma_start3A_115, %dma_start3A_116] : memref<10000x128xf32, #tpu.memory_space<vmem_shared>> -> memref<10000x128xf32, #tpu.memory_space<vmem_shared>>
    tpu.enqueue_indirect_dma source(%dma_start3A_114 : memref<80x128xf32, #tpu.memory_space<vmem>>) target(%dma_start3A_117 : memref<10000x128xf32, #tpu.memory_space<vmem_shared>>) offsets(%arg8 : memref<80xi32, #tpu.memory_space<vmem>>) semaphore(%arg17 : memref<!tpu.dma_semaphore, #tpu.memory_space<semaphore_mem>>) {add = true}
    %scan3A_118 = arith.constant 0 : i32
    %scan3A_119 = arith.constant 31 : i32
    %scan3A_120 = arith.addi %scan3A_118, %scan3A_119 : i32
    %scan3A_121 = arith.constant 1 : i32
    scf.for %scan3A_299 = %scan3A_118 to %scan3A_120 step %scan3A_121  : i32 {
      %mul3A_300 = arith.constant 4 : i32
      %mul3A_301 = arith.muli %scan3A_299, %mul3A_300 : i32
      %add3A_302 = arith.constant 0 : i32
      %add3A_303 = arith.addi %add3A_302, %mul3A_301 : i32
      %add3A_304 = arith.constant 0 : i32
      %add3A_305 = arith.addi %add3A_303, %add3A_304 : i32
      %dma_wait3A_306 = arith.constant 0 : i32
      %dma_wait3A_307 = arith.constant 0 : i32
      %dma_wait3A_308 = arith.constant 0 : i32
      %dma_wait3A_309 = arith.constant 0 : i32
      %dma_wait3A_310 = tpu.memref_slice %arg6[%dma_wait3A_307, %dma_wait3A_308, %dma_wait3A_309] : memref<4x2x80xi32, #tpu.memory_space<vmem>> -> memref<1x2x80xi32, #tpu.memory_space<vmem>>
      %dma_wait3A_311 = tpu.memref_squeeze %dma_wait3A_310 : memref<1x2x80xi32, #tpu.memory_space<vmem>> -> memref<2x80xi32, #tpu.memory_space<vmem>>
      %dma_wait3A_312 = arith.constant 0 : i32
      %dma_wait3A_313 = arith.constant 0 : i32
      %dma_wait3A_314 = tpu.memref_slice %arg2[%dma_wait3A_306, %dma_wait3A_312, %dma_wait3A_313] : memref<4008x2x80xi32, #tpu.memory_space<hbm>> -> memref<1x2x80xi32, #tpu.memory_space<hbm>>
      %dma_wait3A_315 = tpu.memref_squeeze %dma_wait3A_314 : memref<1x2x80xi32, #tpu.memory_space<hbm>> -> memref<2x80xi32, #tpu.memory_space<hbm>>
      %dma_wait3A_316 = arith.constant 0 : i32
      %dma_wait3A_317 = arith.constant 0 : i32
      %dma_wait3A_318 = tpu.memref_slice %arg6[%dma_wait3A_307, %dma_wait3A_316, %dma_wait3A_317] : memref<4x2x80xi32, #tpu.memory_space<vmem>> -> memref<1x2x80xi32, #tpu.memory_space<vmem>>
      %dma_wait3A_319 = tpu.memref_squeeze %dma_wait3A_318 : memref<1x2x80xi32, #tpu.memory_space<vmem>> -> memref<2x80xi32, #tpu.memory_space<vmem>>
      %dma_wait3A_320 = arith.constant 0 : i32
      %dma_wait3A_321 = arith.constant 0 : i32
      %dma_wait3A_322 = tpu.memref_slice %arg2[%dma_wait3A_306, %dma_wait3A_320, %dma_wait3A_321] : memref<4008x2x80xi32, #tpu.memory_space<hbm>> -> memref<1x2x80xi32, #tpu.memory_space<hbm>>
      %dma_wait3A_323 = tpu.memref_squeeze %dma_wait3A_322 : memref<1x2x80xi32, #tpu.memory_space<hbm>> -> memref<2x80xi32, #tpu.memory_space<hbm>>
      tpu.wait_dma2 semaphore(%arg11 : memref<!tpu.dma_semaphore, #tpu.memory_space<semaphore_mem>>) src(%dma_wait3A_323 : memref<2x80xi32, #tpu.memory_space<hbm>>) dst(%dma_wait3A_319 : memref<2x80xi32, #tpu.memory_space<vmem>>)
      %dma_start3A_324 = arith.constant 0 : i32
      %dma_start3A_325 = arith.constant 0 : i32
      %dma_start3A_326 = arith.constant 0 : i32
      %dma_start3A_327 = arith.constant 0 : i32
      %dma_start3A_328 = arith.constant 0 : i32
      %dma_start3A_329 = tpu.memref_slice %arg9[%dma_start3A_326, %dma_start3A_327, %dma_start3A_328] : memref<2x80x128xf32, #tpu.memory_space<vmem>> -> memref<1x80x128xf32, #tpu.memory_space<vmem>>
      %dma_start3A_330 = tpu.memref_squeeze %dma_start3A_329 : memref<1x80x128xf32, #tpu.memory_space<vmem>> -> memref<80x128xf32, #tpu.memory_space<vmem>>
      %dma_start3A_331 = arith.constant 0 : i32
      %dma_start3A_332 = tpu.memref_slice %arg6[%dma_start3A_324, %dma_start3A_325, %dma_start3A_331] : memref<4x2x80xi32, #tpu.memory_space<vmem>> -> memref<1x1x80xi32, #tpu.memory_space<vmem>>
      %dma_start3A_333 = tpu.memref_squeeze %dma_start3A_332 : memref<1x1x80xi32, #tpu.memory_space<vmem>> -> memref<80xi32, #tpu.memory_space<vmem>>
      %dma_start3A_334 = arith.constant 0 : i32
      %dma_start3A_335 = arith.constant 0 : i32
      %dma_start3A_336 = tpu.memref_slice %arg3[%dma_start3A_334, %dma_start3A_335] : memref<10000x128xf32, #tpu.memory_space<hbm>> -> memref<10000x128xf32, #tpu.memory_space<hbm>>
      tpu.enqueue_indirect_dma source(%dma_start3A_336 : memref<10000x128xf32, #tpu.memory_space<hbm>>) target(%dma_start3A_330 : memref<80x128xf32, #tpu.memory_space<vmem>>) offsets(%dma_start3A_333 : memref<80xi32, #tpu.memory_space<vmem>>) semaphore(%arg15 : memref<!tpu.dma_semaphore, #tpu.memory_space<semaphore_mem>>)
      %add3A_337 = arith.constant 2 : i32
      %add3A_338 = arith.addi %add3A_305, %add3A_337 : i32
      %add3A_339 = arith.addi %mul3A_2, %add3A_338 : i32
      %dma_start3A_340 = arith.constant 2 : i32
      %dma_start3A_341 = arith.constant 0 : i32
      %dma_start3A_342 = arith.constant 0 : i32
      %dma_start3A_343 = tpu.memref_slice %arg6[%dma_start3A_340, %dma_start3A_341, %dma_start3A_342] : memref<4x2x80xi32, #tpu.memory_space<vmem>> -> memref<1x2x80xi32, #tpu.memory_space<vmem>>
      %dma_start3A_344 = tpu.memref_squeeze %dma_start3A_343 : memref<1x2x80xi32, #tpu.memory_space<vmem>> -> memref<2x80xi32, #tpu.memory_space<vmem>>
      %dma_start3A_345 = arith.constant 0 : i32
      %dma_start3A_346 = arith.constant 0 : i32
      %dma_start3A_347 = tpu.memref_slice %arg2[%add3A_339, %dma_start3A_345, %dma_start3A_346] : memref<4008x2x80xi32, #tpu.memory_space<hbm>> -> memref<1x2x80xi32, #tpu.memory_space<hbm>>
      %dma_start3A_348 = tpu.memref_squeeze %dma_start3A_347 : memref<1x2x80xi32, #tpu.memory_space<hbm>> -> memref<2x80xi32, #tpu.memory_space<hbm>>
      %dma_start3A_349 = arith.constant 0 : i32
      %dma_start3A_350 = arith.constant 0 : i32
      %dma_start3A_351 = tpu.memref_slice %arg6[%dma_start3A_340, %dma_start3A_349, %dma_start3A_350] : memref<4x2x80xi32, #tpu.memory_space<vmem>> -> memref<1x2x80xi32, #tpu.memory_space<vmem>>
      %dma_start3A_352 = tpu.memref_squeeze %dma_start3A_351 : memref<1x2x80xi32, #tpu.memory_space<vmem>> -> memref<2x80xi32, #tpu.memory_space<vmem>>
      %dma_start3A_353 = arith.constant 0 : i32
      %dma_start3A_354 = arith.constant 0 : i32
      %dma_start3A_355 = tpu.memref_slice %arg2[%add3A_339, %dma_start3A_353, %dma_start3A_354] : memref<4008x2x80xi32, #tpu.memory_space<hbm>> -> memref<1x2x80xi32, #tpu.memory_space<hbm>>
      %dma_start3A_356 = tpu.memref_squeeze %dma_start3A_355 : memref<1x2x80xi32, #tpu.memory_space<hbm>> -> memref<2x80xi32, #tpu.memory_space<hbm>>
      tpu.enqueue_dma source(%dma_start3A_356 : memref<2x80xi32, #tpu.memory_space<hbm>>) target(%dma_start3A_352 : memref<2x80xi32, #tpu.memory_space<vmem>>) target_semaphore(%arg13 : memref<!tpu.dma_semaphore, #tpu.memory_space<semaphore_mem>>)
      %dma_wait3A_357 = arith.constant 0 : i32
      %dma_wait3A_358 = arith.constant 0 : i32
      %dma_wait3A_359 = arith.constant 0 : i32
      %dma_wait3A_360 = arith.constant 0 : i32
      %dma_wait3A_361 = arith.constant 0 : i32
      %dma_wait3A_362 = tpu.memref_slice %arg9[%dma_wait3A_359, %dma_wait3A_360, %dma_wait3A_361] : memref<2x80x128xf32, #tpu.memory_space<vmem>> -> memref<1x80x128xf32, #tpu.memory_space<vmem>>
      %dma_wait3A_363 = tpu.memref_squeeze %dma_wait3A_362 : memref<1x80x128xf32, #tpu.memory_space<vmem>> -> memref<80x128xf32, #tpu.memory_space<vmem>>
      %dma_wait3A_364 = arith.constant 0 : i32
      %dma_wait3A_365 = tpu.memref_slice %arg6[%dma_wait3A_357, %dma_wait3A_358, %dma_wait3A_364] : memref<4x2x80xi32, #tpu.memory_space<vmem>> -> memref<1x1x80xi32, #tpu.memory_space<vmem>>
      %dma_wait3A_366 = tpu.memref_squeeze %dma_wait3A_365 : memref<1x1x80xi32, #tpu.memory_space<vmem>> -> memref<80xi32, #tpu.memory_space<vmem>>
      %dma_wait3A_367 = arith.constant 0 : i32
      %dma_wait3A_368 = arith.constant 0 : i32
      %dma_wait3A_369 = tpu.memref_slice %arg3[%dma_wait3A_367, %dma_wait3A_368] : memref<10000x128xf32, #tpu.memory_space<hbm>> -> memref<10000x128xf32, #tpu.memory_space<hbm>>
      tpu.wait_indirect_dma semaphore(%arg15 : memref<!tpu.dma_semaphore, #tpu.memory_space<semaphore_mem>>) src(%dma_wait3A_369 : memref<10000x128xf32, #tpu.memory_space<hbm>>) dst(%dma_wait3A_363 : memref<80x128xf32, #tpu.memory_space<vmem>>)
      %dma_wait3A_370 = arith.constant 0 : i32
      %dma_wait3A_371 = arith.constant 0 : i32
      %dma_wait3A_372 = arith.constant 1 : i32
      %dma_wait3A_373 = arith.constant 0 : i32
      %dma_wait3A_374 = arith.constant 0 : i32
      %dma_wait3A_375 = tpu.memref_slice %arg9[%dma_wait3A_370, %dma_wait3A_373, %dma_wait3A_374] : memref<2x80x128xf32, #tpu.memory_space<vmem>> -> memref<1x80x128xf32, #tpu.memory_space<vmem>>
      %dma_wait3A_376 = tpu.memref_squeeze %dma_wait3A_375 : memref<1x80x128xf32, #tpu.memory_space<vmem>> -> memref<80x128xf32, #tpu.memory_space<vmem>>
      %dma_wait3A_377 = arith.constant 0 : i32
      %dma_wait3A_378 = tpu.memref_slice %arg6[%dma_wait3A_371, %dma_wait3A_372, %dma_wait3A_377] : memref<4x2x80xi32, #tpu.memory_space<vmem>> -> memref<1x1x80xi32, #tpu.memory_space<vmem>>
      %dma_wait3A_379 = tpu.memref_squeeze %dma_wait3A_378 : memref<1x1x80xi32, #tpu.memory_space<vmem>> -> memref<80xi32, #tpu.memory_space<vmem>>
      %dma_wait3A_380 = arith.constant 0 : i32
      %dma_wait3A_381 = arith.constant 0 : i32
      %dma_wait3A_382 = tpu.memref_slice %arg10[%dma_wait3A_380, %dma_wait3A_381] : memref<10000x128xf32, #tpu.memory_space<vmem_shared>> -> memref<10000x128xf32, #tpu.memory_space<vmem_shared>>
      tpu.wait_indirect_dma semaphore(%arg17 : memref<!tpu.dma_semaphore, #tpu.memory_space<semaphore_mem>>) src(%dma_wait3A_376 : memref<80x128xf32, #tpu.memory_space<vmem>>) dst(%dma_wait3A_382 : memref<10000x128xf32, #tpu.memory_space<vmem_shared>>)
      %dma_start3A_383 = arith.constant 0 : i32
      %dma_start3A_384 = arith.constant 0 : i32
      %dma_start3A_385 = arith.constant 1 : i32
      %dma_start3A_386 = arith.constant 0 : i32
      %dma_start3A_387 = arith.constant 0 : i32
      %dma_start3A_388 = tpu.memref_slice %arg9[%dma_start3A_383, %dma_start3A_386, %dma_start3A_387] : memref<2x80x128xf32, #tpu.memory_space<vmem>> -> memref<1x80x128xf32, #tpu.memory_space<vmem>>
      %dma_start3A_389 = tpu.memref_squeeze %dma_start3A_388 : memref<1x80x128xf32, #tpu.memory_space<vmem>> -> memref<80x128xf32, #tpu.memory_space<vmem>>
      %dma_start3A_390 = arith.constant 0 : i32
      %dma_start3A_391 = tpu.memref_slice %arg6[%dma_start3A_384, %dma_start3A_385, %dma_start3A_390] : memref<4x2x80xi32, #tpu.memory_space<vmem>> -> memref<1x1x80xi32, #tpu.memory_space<vmem>>
      %dma_start3A_392 = tpu.memref_squeeze %dma_start3A_391 : memref<1x1x80xi32, #tpu.memory_space<vmem>> -> memref<80xi32, #tpu.memory_space<vmem>>
      %dma_start3A_393 = arith.constant 0 : i32
      %dma_start3A_394 = arith.constant 0 : i32
      %dma_start3A_395 = tpu.memref_slice %arg10[%dma_start3A_393, %dma_start3A_394] : memref<10000x128xf32, #tpu.memory_space<vmem_shared>> -> memref<10000x128xf32, #tpu.memory_space<vmem_shared>>
      tpu.enqueue_indirect_dma source(%dma_start3A_389 : memref<80x128xf32, #tpu.memory_space<vmem>>) target(%dma_start3A_395 : memref<10000x128xf32, #tpu.memory_space<vmem_shared>>) offsets(%dma_start3A_392 : memref<80xi32, #tpu.memory_space<vmem>>) semaphore(%arg17 : memref<!tpu.dma_semaphore, #tpu.memory_space<semaphore_mem>>) {add = true}
      %add3A_396 = arith.constant 1 : i32
      %add3A_397 = arith.addi %add3A_303, %add3A_396 : i32
      %dma_wait3A_398 = arith.constant 0 : i32
      %dma_wait3A_399 = arith.constant 1 : i32
      %dma_wait3A_400 = arith.constant 0 : i32
      %dma_wait3A_401 = arith.constant 0 : i32
      %dma_wait3A_402 = tpu.memref_slice %arg6[%dma_wait3A_399, %dma_wait3A_400, %dma_wait3A_401] : memref<4x2x80xi32, #tpu.memory_space<vmem>> -> memref<1x2x80xi32, #tpu.memory_space<vmem>>
      %dma_wait3A_403 = tpu.memref_squeeze %dma_wait3A_402 : memref<1x2x80xi32, #tpu.memory_space<vmem>> -> memref<2x80xi32, #tpu.memory_space<vmem>>
      %dma_wait3A_404 = arith.constant 0 : i32
      %dma_wait3A_405 = arith.constant 0 : i32
      %dma_wait3A_406 = tpu.memref_slice %arg2[%dma_wait3A_398, %dma_wait3A_404, %dma_wait3A_405] : memref<4008x2x80xi32, #tpu.memory_space<hbm>> -> memref<1x2x80xi32, #tpu.memory_space<hbm>>
      %dma_wait3A_407 = tpu.memref_squeeze %dma_wait3A_406 : memref<1x2x80xi32, #tpu.memory_space<hbm>> -> memref<2x80xi32, #tpu.memory_space<hbm>>
      %dma_wait3A_408 = arith.constant 0 : i32
      %dma_wait3A_409 = arith.constant 0 : i32
      %dma_wait3A_410 = tpu.memref_slice %arg6[%dma_wait3A_399, %dma_wait3A_408, %dma_wait3A_409] : memref<4x2x80xi32, #tpu.memory_space<vmem>> -> memref<1x2x80xi32, #tpu.memory_space<vmem>>
      %dma_wait3A_411 = tpu.memref_squeeze %dma_wait3A_410 : memref<1x2x80xi32, #tpu.memory_space<vmem>> -> memref<2x80xi32, #tpu.memory_space<vmem>>
      %dma_wait3A_412 = arith.constant 0 : i32
      %dma_wait3A_413 = arith.constant 0 : i32
      %dma_wait3A_414 = tpu.memref_slice %arg2[%dma_wait3A_398, %dma_wait3A_412, %dma_wait3A_413] : memref<4008x2x80xi32, #tpu.memory_space<hbm>> -> memref<1x2x80xi32, #tpu.memory_space<hbm>>
      %dma_wait3A_415 = tpu.memref_squeeze %dma_wait3A_414 : memref<1x2x80xi32, #tpu.memory_space<hbm>> -> memref<2x80xi32, #tpu.memory_space<hbm>>
      tpu.wait_dma2 semaphore(%arg12 : memref<!tpu.dma_semaphore, #tpu.memory_space<semaphore_mem>>) src(%dma_wait3A_415 : memref<2x80xi32, #tpu.memory_space<hbm>>) dst(%dma_wait3A_411 : memref<2x80xi32, #tpu.memory_space<vmem>>)
      %dma_start3A_416 = arith.constant 1 : i32
      %dma_start3A_417 = arith.constant 0 : i32
      %dma_start3A_418 = arith.constant 1 : i32
      %dma_start3A_419 = arith.constant 0 : i32
      %dma_start3A_420 = arith.constant 0 : i32
      %dma_start3A_421 = tpu.memref_slice %arg9[%dma_start3A_418, %dma_start3A_419, %dma_start3A_420] : memref<2x80x128xf32, #tpu.memory_space<vmem>> -> memref<1x80x128xf32, #tpu.memory_space<vmem>>
      %dma_start3A_422 = tpu.memref_squeeze %dma_start3A_421 : memref<1x80x128xf32, #tpu.memory_space<vmem>> -> memref<80x128xf32, #tpu.memory_space<vmem>>
      %dma_start3A_423 = arith.constant 0 : i32
      %dma_start3A_424 = tpu.memref_slice %arg6[%dma_start3A_416, %dma_start3A_417, %dma_start3A_423] : memref<4x2x80xi32, #tpu.memory_space<vmem>> -> memref<1x1x80xi32, #tpu.memory_space<vmem>>
      %dma_start3A_425 = tpu.memref_squeeze %dma_start3A_424 : memref<1x1x80xi32, #tpu.memory_space<vmem>> -> memref<80xi32, #tpu.memory_space<vmem>>
      %dma_start3A_426 = arith.constant 0 : i32
      %dma_start3A_427 = arith.constant 0 : i32
      %dma_start3A_428 = tpu.memref_slice %arg3[%dma_start3A_426, %dma_start3A_427] : memref<10000x128xf32, #tpu.memory_space<hbm>> -> memref<10000x128xf32, #tpu.memory_space<hbm>>
      tpu.enqueue_indirect_dma source(%dma_start3A_428 : memref<10000x128xf32, #tpu.memory_space<hbm>>) target(%dma_start3A_422 : memref<80x128xf32, #tpu.memory_space<vmem>>) offsets(%dma_start3A_425 : memref<80xi32, #tpu.memory_space<vmem>>) semaphore(%arg16 : memref<!tpu.dma_semaphore, #tpu.memory_space<semaphore_mem>>)
      %add3A_429 = arith.constant 2 : i32
      %add3A_430 = arith.addi %add3A_397, %add3A_429 : i32
      %add3A_431 = arith.addi %mul3A_2, %add3A_430 : i32
      %dma_start3A_432 = arith.constant 3 : i32
      %dma_start3A_433 = arith.constant 0 : i32
      %dma_start3A_434 = arith.constant 0 : i32
      %dma_start3A_435 = tpu.memref_slice %arg6[%dma_start3A_432, %dma_start3A_433, %dma_start3A_434] : memref<4x2x80xi32, #tpu.memory_space<vmem>> -> memref<1x2x80xi32, #tpu.memory_space<vmem>>
      %dma_start3A_436 = tpu.memref_squeeze %dma_start3A_435 : memref<1x2x80xi32, #tpu.memory_space<vmem>> -> memref<2x80xi32, #tpu.memory_space<vmem>>
      %dma_start3A_437 = arith.constant 0 : i32
      %dma_start3A_438 = arith.constant 0 : i32
      %dma_start3A_439 = tpu.memref_slice %arg2[%add3A_431, %dma_start3A_437, %dma_start3A_438] : memref<4008x2x80xi32, #tpu.memory_space<hbm>> -> memref<1x2x80xi32, #tpu.memory_space<hbm>>
      %dma_start3A_440 = tpu.memref_squeeze %dma_start3A_439 : memref<1x2x80xi32, #tpu.memory_space<hbm>> -> memref<2x80xi32, #tpu.memory_space<hbm>>
      %dma_start3A_441 = arith.constant 0 : i32
      %dma_start3A_442 = arith.constant 0 : i32
      %dma_start3A_443 = tpu.memref_slice %arg6[%dma_start3A_432, %dma_start3A_441, %dma_start3A_442] : memref<4x2x80xi32, #tpu.memory_space<vmem>> -> memref<1x2x80xi32, #tpu.memory_space<vmem>>
      %dma_start3A_444 = tpu.memref_squeeze %dma_start3A_443 : memref<1x2x80xi32, #tpu.memory_space<vmem>> -> memref<2x80xi32, #tpu.memory_space<vmem>>
      %dma_start3A_445 = arith.constant 0 : i32
      %dma_start3A_446 = arith.constant 0 : i32
      %dma_start3A_447 = tpu.memref_slice %arg2[%add3A_431, %dma_start3A_445, %dma_start3A_446] : memref<4008x2x80xi32, #tpu.memory_space<hbm>> -> memref<1x2x80xi32, #tpu.memory_space<hbm>>
      %dma_start3A_448 = tpu.memref_squeeze %dma_start3A_447 : memref<1x2x80xi32, #tpu.memory_space<hbm>> -> memref<2x80xi32, #tpu.memory_space<hbm>>
      tpu.enqueue_dma source(%dma_start3A_448 : memref<2x80xi32, #tpu.memory_space<hbm>>) target(%dma_start3A_444 : memref<2x80xi32, #tpu.memory_space<vmem>>) target_semaphore(%arg14 : memref<!tpu.dma_semaphore, #tpu.memory_space<semaphore_mem>>)
      %dma_wait3A_449 = arith.constant 1 : i32
      %dma_wait3A_450 = arith.constant 0 : i32
      %dma_wait3A_451 = arith.constant 1 : i32
      %dma_wait3A_452 = arith.constant 0 : i32
      %dma_wait3A_453 = arith.constant 0 : i32
      %dma_wait3A_454 = tpu.memref_slice %arg9[%dma_wait3A_451, %dma_wait3A_452, %dma_wait3A_453] : memref<2x80x128xf32, #tpu.memory_space<vmem>> -> memref<1x80x128xf32, #tpu.memory_space<vmem>>
      %dma_wait3A_455 = tpu.memref_squeeze %dma_wait3A_454 : memref<1x80x128xf32, #tpu.memory_space<vmem>> -> memref<80x128xf32, #tpu.memory_space<vmem>>
      %dma_wait3A_456 = arith.constant 0 : i32
      %dma_wait3A_457 = tpu.memref_slice %arg6[%dma_wait3A_449, %dma_wait3A_450, %dma_wait3A_456] : memref<4x2x80xi32, #tpu.memory_space<vmem>> -> memref<1x1x80xi32, #tpu.memory_space<vmem>>
      %dma_wait3A_458 = tpu.memref_squeeze %dma_wait3A_457 : memref<1x1x80xi32, #tpu.memory_space<vmem>> -> memref<80xi32, #tpu.memory_space<vmem>>
      %dma_wait3A_459 = arith.constant 0 : i32
      %dma_wait3A_460 = arith.constant 0 : i32
      %dma_wait3A_461 = tpu.memref_slice %arg3[%dma_wait3A_459, %dma_wait3A_460] : memref<10000x128xf32, #tpu.memory_space<hbm>> -> memref<10000x128xf32, #tpu.memory_space<hbm>>
      tpu.wait_indirect_dma semaphore(%arg16 : memref<!tpu.dma_semaphore, #tpu.memory_space<semaphore_mem>>) src(%dma_wait3A_461 : memref<10000x128xf32, #tpu.memory_space<hbm>>) dst(%dma_wait3A_455 : memref<80x128xf32, #tpu.memory_space<vmem>>)
      %dma_wait3A_462 = arith.constant 0 : i32
      %dma_wait3A_463 = arith.constant 0 : i32
      %dma_wait3A_464 = arith.constant 1 : i32
      %dma_wait3A_465 = arith.constant 0 : i32
      %dma_wait3A_466 = arith.constant 0 : i32
      %dma_wait3A_467 = tpu.memref_slice %arg9[%dma_wait3A_462, %dma_wait3A_465, %dma_wait3A_466] : memref<2x80x128xf32, #tpu.memory_space<vmem>> -> memref<1x80x128xf32, #tpu.memory_space<vmem>>
      %dma_wait3A_468 = tpu.memref_squeeze %dma_wait3A_467 : memref<1x80x128xf32, #tpu.memory_space<vmem>> -> memref<80x128xf32, #tpu.memory_space<vmem>>
      %dma_wait3A_469 = arith.constant 0 : i32
      %dma_wait3A_470 = tpu.memref_slice %arg6[%dma_wait3A_463, %dma_wait3A_464, %dma_wait3A_469] : memref<4x2x80xi32, #tpu.memory_space<vmem>> -> memref<1x1x80xi32, #tpu.memory_space<vmem>>
      %dma_wait3A_471 = tpu.memref_squeeze %dma_wait3A_470 : memref<1x1x80xi32, #tpu.memory_space<vmem>> -> memref<80xi32, #tpu.memory_space<vmem>>
      %dma_wait3A_472 = arith.constant 0 : i32
      %dma_wait3A_473 = arith.constant 0 : i32
      %dma_wait3A_474 = tpu.memref_slice %arg10[%dma_wait3A_472, %dma_wait3A_473] : memref<10000x128xf32, #tpu.memory_space<vmem_shared>> -> memref<10000x128xf32, #tpu.memory_space<vmem_shared>>
      tpu.wait_indirect_dma semaphore(%arg17 : memref<!tpu.dma_semaphore, #tpu.memory_space<semaphore_mem>>) src(%dma_wait3A_468 : memref<80x128xf32, #tpu.memory_space<vmem>>) dst(%dma_wait3A_474 : memref<10000x128xf32, #tpu.memory_space<vmem_shared>>)
      %dma_start3A_475 = arith.constant 1 : i32
      %dma_start3A_476 = arith.constant 1 : i32
      %dma_start3A_477 = arith.constant 1 : i32
      %dma_start3A_478 = arith.constant 0 : i32
      %dma_start3A_479 = arith.constant 0 : i32
      %dma_start3A_480 = tpu.memref_slice %arg9[%dma_start3A_475, %dma_start3A_478, %dma_start3A_479] : memref<2x80x128xf32, #tpu.memory_space<vmem>> -> memref<1x80x128xf32, #tpu.memory_space<vmem>>
      %dma_start3A_481 = tpu.memref_squeeze %dma_start3A_480 : memref<1x80x128xf32, #tpu.memory_space<vmem>> -> memref<80x128xf32, #tpu.memory_space<vmem>>
      %dma_start3A_482 = arith.constant 0 : i32
      %dma_start3A_483 = tpu.memref_slice %arg6[%dma_start3A_476, %dma_start3A_477, %dma_start3A_482] : memref<4x2x80xi32, #tpu.memory_space<vmem>> -> memref<1x1x80xi32, #tpu.memory_space<vmem>>
      %dma_start3A_484 = tpu.memref_squeeze %dma_start3A_483 : memref<1x1x80xi32, #tpu.memory_space<vmem>> -> memref<80xi32, #tpu.memory_space<vmem>>
      %dma_start3A_485 = arith.constant 0 : i32
      %dma_start3A_486 = arith.constant 0 : i32
      %dma_start3A_487 = tpu.memref_slice %arg10[%dma_start3A_485, %dma_start3A_486] : memref<10000x128xf32, #tpu.memory_space<vmem_shared>> -> memref<10000x128xf32, #tpu.memory_space<vmem_shared>>
      tpu.enqueue_indirect_dma source(%dma_start3A_481 : memref<80x128xf32, #tpu.memory_space<vmem>>) target(%dma_start3A_487 : memref<10000x128xf32, #tpu.memory_space<vmem_shared>>) offsets(%dma_start3A_484 : memref<80xi32, #tpu.memory_space<vmem>>) semaphore(%arg17 : memref<!tpu.dma_semaphore, #tpu.memory_space<semaphore_mem>>) {add = true}
      %add3A_488 = arith.constant 2 : i32
      %add3A_489 = arith.addi %add3A_303, %add3A_488 : i32
      %dma_wait3A_490 = arith.constant 0 : i32
      %dma_wait3A_491 = arith.constant 2 : i32
      %dma_wait3A_492 = arith.constant 0 : i32
      %dma_wait3A_493 = arith.constant 0 : i32
      %dma_wait3A_494 = tpu.memref_slice %arg6[%dma_wait3A_491, %dma_wait3A_492, %dma_wait3A_493] : memref<4x2x80xi32, #tpu.memory_space<vmem>> -> memref<1x2x80xi32, #tpu.memory_space<vmem>>
      %dma_wait3A_495 = tpu.memref_squeeze %dma_wait3A_494 : memref<1x2x80xi32, #tpu.memory_space<vmem>> -> memref<2x80xi32, #tpu.memory_space<vmem>>
      %dma_wait3A_496 = arith.constant 0 : i32
      %dma_wait3A_497 = arith.constant 0 : i32
      %dma_wait3A_498 = tpu.memref_slice %arg2[%dma_wait3A_490, %dma_wait3A_496, %dma_wait3A_497] : memref<4008x2x80xi32, #tpu.memory_space<hbm>> -> memref<1x2x80xi32, #tpu.memory_space<hbm>>
      %dma_wait3A_499 = tpu.memref_squeeze %dma_wait3A_498 : memref<1x2x80xi32, #tpu.memory_space<hbm>> -> memref<2x80xi32, #tpu.memory_space<hbm>>
      %dma_wait3A_500 = arith.constant 0 : i32
      %dma_wait3A_501 = arith.constant 0 : i32
      %dma_wait3A_502 = tpu.memref_slice %arg6[%dma_wait3A_491, %dma_wait3A_500, %dma_wait3A_501] : memref<4x2x80xi32, #tpu.memory_space<vmem>> -> memref<1x2x80xi32, #tpu.memory_space<vmem>>
      %dma_wait3A_503 = tpu.memref_squeeze %dma_wait3A_502 : memref<1x2x80xi32, #tpu.memory_space<vmem>> -> memref<2x80xi32, #tpu.memory_space<vmem>>
      %dma_wait3A_504 = arith.constant 0 : i32
      %dma_wait3A_505 = arith.constant 0 : i32
      %dma_wait3A_506 = tpu.memref_slice %arg2[%dma_wait3A_490, %dma_wait3A_504, %dma_wait3A_505] : memref<4008x2x80xi32, #tpu.memory_space<hbm>> -> memref<1x2x80xi32, #tpu.memory_space<hbm>>
      %dma_wait3A_507 = tpu.memref_squeeze %dma_wait3A_506 : memref<1x2x80xi32, #tpu.memory_space<hbm>> -> memref<2x80xi32, #tpu.memory_space<hbm>>
      tpu.wait_dma2 semaphore(%arg13 : memref<!tpu.dma_semaphore, #tpu.memory_space<semaphore_mem>>) src(%dma_wait3A_507 : memref<2x80xi32, #tpu.memory_space<hbm>>) dst(%dma_wait3A_503 : memref<2x80xi32, #tpu.memory_space<vmem>>)
      %dma_start3A_508 = arith.constant 2 : i32
      %dma_start3A_509 = arith.constant 0 : i32
      %dma_start3A_510 = arith.constant 0 : i32
      %dma_start3A_511 = arith.constant 0 : i32
      %dma_start3A_512 = arith.constant 0 : i32
      %dma_start3A_513 = tpu.memref_slice %arg9[%dma_start3A_510, %dma_start3A_511, %dma_start3A_512] : memref<2x80x128xf32, #tpu.memory_space<vmem>> -> memref<1x80x128xf32, #tpu.memory_space<vmem>>
      %dma_start3A_514 = tpu.memref_squeeze %dma_start3A_513 : memref<1x80x128xf32, #tpu.memory_space<vmem>> -> memref<80x128xf32, #tpu.memory_space<vmem>>
      %dma_start3A_515 = arith.constant 0 : i32
      %dma_start3A_516 = tpu.memref_slice %arg6[%dma_start3A_508, %dma_start3A_509, %dma_start3A_515] : memref<4x2x80xi32, #tpu.memory_space<vmem>> -> memref<1x1x80xi32, #tpu.memory_space<vmem>>
      %dma_start3A_517 = tpu.memref_squeeze %dma_start3A_516 : memref<1x1x80xi32, #tpu.memory_space<vmem>> -> memref<80xi32, #tpu.memory_space<vmem>>
      %dma_start3A_518 = arith.constant 0 : i32
      %dma_start3A_519 = arith.constant 0 : i32
      %dma_start3A_520 = tpu.memref_slice %arg3[%dma_start3A_518, %dma_start3A_519] : memref<10000x128xf32, #tpu.memory_space<hbm>> -> memref<10000x128xf32, #tpu.memory_space<hbm>>
      tpu.enqueue_indirect_dma source(%dma_start3A_520 : memref<10000x128xf32, #tpu.memory_space<hbm>>) target(%dma_start3A_514 : memref<80x128xf32, #tpu.memory_space<vmem>>) offsets(%dma_start3A_517 : memref<80xi32, #tpu.memory_space<vmem>>) semaphore(%arg15 : memref<!tpu.dma_semaphore, #tpu.memory_space<semaphore_mem>>)
      %add3A_521 = arith.constant 2 : i32
      %add3A_522 = arith.addi %add3A_489, %add3A_521 : i32
      %add3A_523 = arith.addi %mul3A_2, %add3A_522 : i32
      %dma_start3A_524 = arith.constant 0 : i32
      %dma_start3A_525 = arith.constant 0 : i32
      %dma_start3A_526 = arith.constant 0 : i32
      %dma_start3A_527 = tpu.memref_slice %arg6[%dma_start3A_524, %dma_start3A_525, %dma_start3A_526] : memref<4x2x80xi32, #tpu.memory_space<vmem>> -> memref<1x2x80xi32, #tpu.memory_space<vmem>>
      %dma_start3A_528 = tpu.memref_squeeze %dma_start3A_527 : memref<1x2x80xi32, #tpu.memory_space<vmem>> -> memref<2x80xi32, #tpu.memory_space<vmem>>
      %dma_start3A_529 = arith.constant 0 : i32
      %dma_start3A_530 = arith.constant 0 : i32
      %dma_start3A_531 = tpu.memref_slice %arg2[%add3A_523, %dma_start3A_529, %dma_start3A_530] : memref<4008x2x80xi32, #tpu.memory_space<hbm>> -> memref<1x2x80xi32, #tpu.memory_space<hbm>>
      %dma_start3A_532 = tpu.memref_squeeze %dma_start3A_531 : memref<1x2x80xi32, #tpu.memory_space<hbm>> -> memref<2x80xi32, #tpu.memory_space<hbm>>
      %dma_start3A_533 = arith.constant 0 : i32
      %dma_start3A_534 = arith.constant 0 : i32
      %dma_start3A_535 = tpu.memref_slice %arg6[%dma_start3A_524, %dma_start3A_533, %dma_start3A_534] : memref<4x2x80xi32, #tpu.memory_space<vmem>> -> memref<1x2x80xi32, #tpu.memory_space<vmem>>
      %dma_start3A_536 = tpu.memref_squeeze %dma_start3A_535 : memref<1x2x80xi32, #tpu.memory_space<vmem>> -> memref<2x80xi32, #tpu.memory_space<vmem>>
      %dma_start3A_537 = arith.constant 0 : i32
      %dma_start3A_538 = arith.constant 0 : i32
      %dma_start3A_539 = tpu.memref_slice %arg2[%add3A_523, %dma_start3A_537, %dma_start3A_538] : memref<4008x2x80xi32, #tpu.memory_space<hbm>> -> memref<1x2x80xi32, #tpu.memory_space<hbm>>
      %dma_start3A_540 = tpu.memref_squeeze %dma_start3A_539 : memref<1x2x80xi32, #tpu.memory_space<hbm>> -> memref<2x80xi32, #tpu.memory_space<hbm>>
      tpu.enqueue_dma source(%dma_start3A_540 : memref<2x80xi32, #tpu.memory_space<hbm>>) target(%dma_start3A_536 : memref<2x80xi32, #tpu.memory_space<vmem>>) target_semaphore(%arg11 : memref<!tpu.dma_semaphore, #tpu.memory_space<semaphore_mem>>)
      %dma_wait3A_541 = arith.constant 2 : i32
      %dma_wait3A_542 = arith.constant 0 : i32
      %dma_wait3A_543 = arith.constant 0 : i32
      %dma_wait3A_544 = arith.constant 0 : i32
      %dma_wait3A_545 = arith.constant 0 : i32
      %dma_wait3A_546 = tpu.memref_slice %arg9[%dma_wait3A_543, %dma_wait3A_544, %dma_wait3A_545] : memref<2x80x128xf32, #tpu.memory_space<vmem>> -> memref<1x80x128xf32, #tpu.memory_space<vmem>>
      %dma_wait3A_547 = tpu.memref_squeeze %dma_wait3A_546 : memref<1x80x128xf32, #tpu.memory_space<vmem>> -> memref<80x128xf32, #tpu.memory_space<vmem>>
      %dma_wait3A_548 = arith.constant 0 : i32
      %dma_wait3A_549 = tpu.memref_slice %arg6[%dma_wait3A_541, %dma_wait3A_542, %dma_wait3A_548] : memref<4x2x80xi32, #tpu.memory_space<vmem>> -> memref<1x1x80xi32, #tpu.memory_space<vmem>>
      %dma_wait3A_550 = tpu.memref_squeeze %dma_wait3A_549 : memref<1x1x80xi32, #tpu.memory_space<vmem>> -> memref<80xi32, #tpu.memory_space<vmem>>
      %dma_wait3A_551 = arith.constant 0 : i32
      %dma_wait3A_552 = arith.constant 0 : i32
      %dma_wait3A_553 = tpu.memref_slice %arg3[%dma_wait3A_551, %dma_wait3A_552] : memref<10000x128xf32, #tpu.memory_space<hbm>> -> memref<10000x128xf32, #tpu.memory_space<hbm>>
      tpu.wait_indirect_dma semaphore(%arg15 : memref<!tpu.dma_semaphore, #tpu.memory_space<semaphore_mem>>) src(%dma_wait3A_553 : memref<10000x128xf32, #tpu.memory_space<hbm>>) dst(%dma_wait3A_547 : memref<80x128xf32, #tpu.memory_space<vmem>>)
      %dma_wait3A_554 = arith.constant 0 : i32
      %dma_wait3A_555 = arith.constant 0 : i32
      %dma_wait3A_556 = arith.constant 1 : i32
      %dma_wait3A_557 = arith.constant 0 : i32
      %dma_wait3A_558 = arith.constant 0 : i32
      %dma_wait3A_559 = tpu.memref_slice %arg9[%dma_wait3A_554, %dma_wait3A_557, %dma_wait3A_558] : memref<2x80x128xf32, #tpu.memory_space<vmem>> -> memref<1x80x128xf32, #tpu.memory_space<vmem>>
      %dma_wait3A_560 = tpu.memref_squeeze %dma_wait3A_559 : memref<1x80x128xf32, #tpu.memory_space<vmem>> -> memref<80x128xf32, #tpu.memory_space<vmem>>
      %dma_wait3A_561 = arith.constant 0 : i32
      %dma_wait3A_562 = tpu.memref_slice %arg6[%dma_wait3A_555, %dma_wait3A_556, %dma_wait3A_561] : memref<4x2x80xi32, #tpu.memory_space<vmem>> -> memref<1x1x80xi32, #tpu.memory_space<vmem>>
      %dma_wait3A_563 = tpu.memref_squeeze %dma_wait3A_562 : memref<1x1x80xi32, #tpu.memory_space<vmem>> -> memref<80xi32, #tpu.memory_space<vmem>>
      %dma_wait3A_564 = arith.constant 0 : i32
      %dma_wait3A_565 = arith.constant 0 : i32
      %dma_wait3A_566 = tpu.memref_slice %arg10[%dma_wait3A_564, %dma_wait3A_565] : memref<10000x128xf32, #tpu.memory_space<vmem_shared>> -> memref<10000x128xf32, #tpu.memory_space<vmem_shared>>
      tpu.wait_indirect_dma semaphore(%arg17 : memref<!tpu.dma_semaphore, #tpu.memory_space<semaphore_mem>>) src(%dma_wait3A_560 : memref<80x128xf32, #tpu.memory_space<vmem>>) dst(%dma_wait3A_566 : memref<10000x128xf32, #tpu.memory_space<vmem_shared>>)
      %dma_start3A_567 = arith.constant 0 : i32
      %dma_start3A_568 = arith.constant 2 : i32
      %dma_start3A_569 = arith.constant 1 : i32
      %dma_start3A_570 = arith.constant 0 : i32
      %dma_start3A_571 = arith.constant 0 : i32
      %dma_start3A_572 = tpu.memref_slice %arg9[%dma_start3A_567, %dma_start3A_570, %dma_start3A_571] : memref<2x80x128xf32, #tpu.memory_space<vmem>> -> memref<1x80x128xf32, #tpu.memory_space<vmem>>
      %dma_start3A_573 = tpu.memref_squeeze %dma_start3A_572 : memref<1x80x128xf32, #tpu.memory_space<vmem>> -> memref<80x128xf32, #tpu.memory_space<vmem>>
      %dma_start3A_574 = arith.constant 0 : i32
      %dma_start3A_575 = tpu.memref_slice %arg6[%dma_start3A_568, %dma_start3A_569, %dma_start3A_574] : memref<4x2x80xi32, #tpu.memory_space<vmem>> -> memref<1x1x80xi32, #tpu.memory_space<vmem>>
      %dma_start3A_576 = tpu.memref_squeeze %dma_start3A_575 : memref<1x1x80xi32, #tpu.memory_space<vmem>> -> memref<80xi32, #tpu.memory_space<vmem>>
      %dma_start3A_577 = arith.constant 0 : i32
      %dma_start3A_578 = arith.constant 0 : i32
      %dma_start3A_579 = tpu.memref_slice %arg10[%dma_start3A_577, %dma_start3A_578] : memref<10000x128xf32, #tpu.memory_space<vmem_shared>> -> memref<10000x128xf32, #tpu.memory_space<vmem_shared>>
      tpu.enqueue_indirect_dma source(%dma_start3A_573 : memref<80x128xf32, #tpu.memory_space<vmem>>) target(%dma_start3A_579 : memref<10000x128xf32, #tpu.memory_space<vmem_shared>>) offsets(%dma_start3A_576 : memref<80xi32, #tpu.memory_space<vmem>>) semaphore(%arg17 : memref<!tpu.dma_semaphore, #tpu.memory_space<semaphore_mem>>) {add = true}
      %add3A_580 = arith.constant 3 : i32
      %add3A_581 = arith.addi %add3A_303, %add3A_580 : i32
      %dma_wait3A_582 = arith.constant 0 : i32
      %dma_wait3A_583 = arith.constant 3 : i32
      %dma_wait3A_584 = arith.constant 0 : i32
      %dma_wait3A_585 = arith.constant 0 : i32
      %dma_wait3A_586 = tpu.memref_slice %arg6[%dma_wait3A_583, %dma_wait3A_584, %dma_wait3A_585] : memref<4x2x80xi32, #tpu.memory_space<vmem>> -> memref<1x2x80xi32, #tpu.memory_space<vmem>>
      %dma_wait3A_587 = tpu.memref_squeeze %dma_wait3A_586 : memref<1x2x80xi32, #tpu.memory_space<vmem>> -> memref<2x80xi32, #tpu.memory_space<vmem>>
      %dma_wait3A_588 = arith.constant 0 : i32
      %dma_wait3A_589 = arith.constant 0 : i32
      %dma_wait3A_590 = tpu.memref_slice %arg2[%dma_wait3A_582, %dma_wait3A_588, %dma_wait3A_589] : memref<4008x2x80xi32, #tpu.memory_space<hbm>> -> memref<1x2x80xi32, #tpu.memory_space<hbm>>
      %dma_wait3A_591 = tpu.memref_squeeze %dma_wait3A_590 : memref<1x2x80xi32, #tpu.memory_space<hbm>> -> memref<2x80xi32, #tpu.memory_space<hbm>>
      %dma_wait3A_592 = arith.constant 0 : i32
      %dma_wait3A_593 = arith.constant 0 : i32
      %dma_wait3A_594 = tpu.memref_slice %arg6[%dma_wait3A_583, %dma_wait3A_592, %dma_wait3A_593] : memref<4x2x80xi32, #tpu.memory_space<vmem>> -> memref<1x2x80xi32, #tpu.memory_space<vmem>>
      %dma_wait3A_595 = tpu.memref_squeeze %dma_wait3A_594 : memref<1x2x80xi32, #tpu.memory_space<vmem>> -> memref<2x80xi32, #tpu.memory_space<vmem>>
      %dma_wait3A_596 = arith.constant 0 : i32
      %dma_wait3A_597 = arith.constant 0 : i32
      %dma_wait3A_598 = tpu.memref_slice %arg2[%dma_wait3A_582, %dma_wait3A_596, %dma_wait3A_597] : memref<4008x2x80xi32, #tpu.memory_space<hbm>> -> memref<1x2x80xi32, #tpu.memory_space<hbm>>
      %dma_wait3A_599 = tpu.memref_squeeze %dma_wait3A_598 : memref<1x2x80xi32, #tpu.memory_space<hbm>> -> memref<2x80xi32, #tpu.memory_space<hbm>>
      tpu.wait_dma2 semaphore(%arg14 : memref<!tpu.dma_semaphore, #tpu.memory_space<semaphore_mem>>) src(%dma_wait3A_599 : memref<2x80xi32, #tpu.memory_space<hbm>>) dst(%dma_wait3A_595 : memref<2x80xi32, #tpu.memory_space<vmem>>)
      %dma_start3A_600 = arith.constant 3 : i32
      %dma_start3A_601 = arith.constant 0 : i32
      %dma_start3A_602 = arith.constant 1 : i32
      %dma_start3A_603 = arith.constant 0 : i32
      %dma_start3A_604 = arith.constant 0 : i32
      %dma_start3A_605 = tpu.memref_slice %arg9[%dma_start3A_602, %dma_start3A_603, %dma_start3A_604] : memref<2x80x128xf32, #tpu.memory_space<vmem>> -> memref<1x80x128xf32, #tpu.memory_space<vmem>>
      %dma_start3A_606 = tpu.memref_squeeze %dma_start3A_605 : memref<1x80x128xf32, #tpu.memory_space<vmem>> -> memref<80x128xf32, #tpu.memory_space<vmem>>
      %dma_start3A_607 = arith.constant 0 : i32
      %dma_start3A_608 = tpu.memref_slice %arg6[%dma_start3A_600, %dma_start3A_601, %dma_start3A_607] : memref<4x2x80xi32, #tpu.memory_space<vmem>> -> memref<1x1x80xi32, #tpu.memory_space<vmem>>
      %dma_start3A_609 = tpu.memref_squeeze %dma_start3A_608 : memref<1x1x80xi32, #tpu.memory_space<vmem>> -> memref<80xi32, #tpu.memory_space<vmem>>
      %dma_start3A_610 = arith.constant 0 : i32
      %dma_start3A_611 = arith.constant 0 : i32
      %dma_start3A_612 = tpu.memref_slice %arg3[%dma_start3A_610, %dma_start3A_611] : memref<10000x128xf32, #tpu.memory_space<hbm>> -> memref<10000x128xf32, #tpu.memory_space<hbm>>
      tpu.enqueue_indirect_dma source(%dma_start3A_612 : memref<10000x128xf32, #tpu.memory_space<hbm>>) target(%dma_start3A_606 : memref<80x128xf32, #tpu.memory_space<vmem>>) offsets(%dma_start3A_609 : memref<80xi32, #tpu.memory_space<vmem>>) semaphore(%arg16 : memref<!tpu.dma_semaphore, #tpu.memory_space<semaphore_mem>>)
      %add3A_613 = arith.constant 2 : i32
      %add3A_614 = arith.addi %add3A_581, %add3A_613 : i32
      %add3A_615 = arith.addi %mul3A_2, %add3A_614 : i32
      %dma_start3A_616 = arith.constant 1 : i32
      %dma_start3A_617 = arith.constant 0 : i32
      %dma_start3A_618 = arith.constant 0 : i32
      %dma_start3A_619 = tpu.memref_slice %arg6[%dma_start3A_616, %dma_start3A_617, %dma_start3A_618] : memref<4x2x80xi32, #tpu.memory_space<vmem>> -> memref<1x2x80xi32, #tpu.memory_space<vmem>>
      %dma_start3A_620 = tpu.memref_squeeze %dma_start3A_619 : memref<1x2x80xi32, #tpu.memory_space<vmem>> -> memref<2x80xi32, #tpu.memory_space<vmem>>
      %dma_start3A_621 = arith.constant 0 : i32
      %dma_start3A_622 = arith.constant 0 : i32
      %dma_start3A_623 = tpu.memref_slice %arg2[%add3A_615, %dma_start3A_621, %dma_start3A_622] : memref<4008x2x80xi32, #tpu.memory_space<hbm>> -> memref<1x2x80xi32, #tpu.memory_space<hbm>>
      %dma_start3A_624 = tpu.memref_squeeze %dma_start3A_623 : memref<1x2x80xi32, #tpu.memory_space<hbm>> -> memref<2x80xi32, #tpu.memory_space<hbm>>
      %dma_start3A_625 = arith.constant 0 : i32
      %dma_start3A_626 = arith.constant 0 : i32
      %dma_start3A_627 = tpu.memref_slice %arg6[%dma_start3A_616, %dma_start3A_625, %dma_start3A_626] : memref<4x2x80xi32, #tpu.memory_space<vmem>> -> memref<1x2x80xi32, #tpu.memory_space<vmem>>
      %dma_start3A_628 = tpu.memref_squeeze %dma_start3A_627 : memref<1x2x80xi32, #tpu.memory_space<vmem>> -> memref<2x80xi32, #tpu.memory_space<vmem>>
      %dma_start3A_629 = arith.constant 0 : i32
      %dma_start3A_630 = arith.constant 0 : i32
      %dma_start3A_631 = tpu.memref_slice %arg2[%add3A_615, %dma_start3A_629, %dma_start3A_630] : memref<4008x2x80xi32, #tpu.memory_space<hbm>> -> memref<1x2x80xi32, #tpu.memory_space<hbm>>
      %dma_start3A_632 = tpu.memref_squeeze %dma_start3A_631 : memref<1x2x80xi32, #tpu.memory_space<hbm>> -> memref<2x80xi32, #tpu.memory_space<hbm>>
      tpu.enqueue_dma source(%dma_start3A_632 : memref<2x80xi32, #tpu.memory_space<hbm>>) target(%dma_start3A_628 : memref<2x80xi32, #tpu.memory_space<vmem>>) target_semaphore(%arg12 : memref<!tpu.dma_semaphore, #tpu.memory_space<semaphore_mem>>)
      %dma_wait3A_633 = arith.constant 3 : i32
      %dma_wait3A_634 = arith.constant 0 : i32
      %dma_wait3A_635 = arith.constant 1 : i32
      %dma_wait3A_636 = arith.constant 0 : i32
      %dma_wait3A_637 = arith.constant 0 : i32
      %dma_wait3A_638 = tpu.memref_slice %arg9[%dma_wait3A_635, %dma_wait3A_636, %dma_wait3A_637] : memref<2x80x128xf32, #tpu.memory_space<vmem>> -> memref<1x80x128xf32, #tpu.memory_space<vmem>>
      %dma_wait3A_639 = tpu.memref_squeeze %dma_wait3A_638 : memref<1x80x128xf32, #tpu.memory_space<vmem>> -> memref<80x128xf32, #tpu.memory_space<vmem>>
      %dma_wait3A_640 = arith.constant 0 : i32
      %dma_wait3A_641 = tpu.memref_slice %arg6[%dma_wait3A_633, %dma_wait3A_634, %dma_wait3A_640] : memref<4x2x80xi32, #tpu.memory_space<vmem>> -> memref<1x1x80xi32, #tpu.memory_space<vmem>>
      %dma_wait3A_642 = tpu.memref_squeeze %dma_wait3A_641 : memref<1x1x80xi32, #tpu.memory_space<vmem>> -> memref<80xi32, #tpu.memory_space<vmem>>
      %dma_wait3A_643 = arith.constant 0 : i32
      %dma_wait3A_644 = arith.constant 0 : i32
      %dma_wait3A_645 = tpu.memref_slice %arg3[%dma_wait3A_643, %dma_wait3A_644] : memref<10000x128xf32, #tpu.memory_space<hbm>> -> memref<10000x128xf32, #tpu.memory_space<hbm>>
      tpu.wait_indirect_dma semaphore(%arg16 : memref<!tpu.dma_semaphore, #tpu.memory_space<semaphore_mem>>) src(%dma_wait3A_645 : memref<10000x128xf32, #tpu.memory_space<hbm>>) dst(%dma_wait3A_639 : memref<80x128xf32, #tpu.memory_space<vmem>>)
      %dma_wait3A_646 = arith.constant 0 : i32
      %dma_wait3A_647 = arith.constant 0 : i32
      %dma_wait3A_648 = arith.constant 1 : i32
      %dma_wait3A_649 = arith.constant 0 : i32
      %dma_wait3A_650 = arith.constant 0 : i32
      %dma_wait3A_651 = tpu.memref_slice %arg9[%dma_wait3A_646, %dma_wait3A_649, %dma_wait3A_650] : memref<2x80x128xf32, #tpu.memory_space<vmem>> -> memref<1x80x128xf32, #tpu.memory_space<vmem>>
      %dma_wait3A_652 = tpu.memref_squeeze %dma_wait3A_651 : memref<1x80x128xf32, #tpu.memory_space<vmem>> -> memref<80x128xf32, #tpu.memory_space<vmem>>
      %dma_wait3A_653 = arith.constant 0 : i32
      %dma_wait3A_654 = tpu.memref_slice %arg6[%dma_wait3A_647, %dma_wait3A_648, %dma_wait3A_653] : memref<4x2x80xi32, #tpu.memory_space<vmem>> -> memref<1x1x80xi32, #tpu.memory_space<vmem>>
      %dma_wait3A_655 = tpu.memref_squeeze %dma_wait3A_654 : memref<1x1x80xi32, #tpu.memory_space<vmem>> -> memref<80xi32, #tpu.memory_space<vmem>>
      %dma_wait3A_656 = arith.constant 0 : i32
      %dma_wait3A_657 = arith.constant 0 : i32
      %dma_wait3A_658 = tpu.memref_slice %arg10[%dma_wait3A_656, %dma_wait3A_657] : memref<10000x128xf32, #tpu.memory_space<vmem_shared>> -> memref<10000x128xf32, #tpu.memory_space<vmem_shared>>
      tpu.wait_indirect_dma semaphore(%arg17 : memref<!tpu.dma_semaphore, #tpu.memory_space<semaphore_mem>>) src(%dma_wait3A_652 : memref<80x128xf32, #tpu.memory_space<vmem>>) dst(%dma_wait3A_658 : memref<10000x128xf32, #tpu.memory_space<vmem_shared>>)
      %dma_start3A_659 = arith.constant 1 : i32
      %dma_start3A_660 = arith.constant 3 : i32
      %dma_start3A_661 = arith.constant 1 : i32
      %dma_start3A_662 = arith.constant 0 : i32
      %dma_start3A_663 = arith.constant 0 : i32
      %dma_start3A_664 = tpu.memref_slice %arg9[%dma_start3A_659, %dma_start3A_662, %dma_start3A_663] : memref<2x80x128xf32, #tpu.memory_space<vmem>> -> memref<1x80x128xf32, #tpu.memory_space<vmem>>
      %dma_start3A_665 = tpu.memref_squeeze %dma_start3A_664 : memref<1x80x128xf32, #tpu.memory_space<vmem>> -> memref<80x128xf32, #tpu.memory_space<vmem>>
      %dma_start3A_666 = arith.constant 0 : i32
      %dma_start3A_667 = tpu.memref_slice %arg6[%dma_start3A_660, %dma_start3A_661, %dma_start3A_666] : memref<4x2x80xi32, #tpu.memory_space<vmem>> -> memref<1x1x80xi32, #tpu.memory_space<vmem>>
      %dma_start3A_668 = tpu.memref_squeeze %dma_start3A_667 : memref<1x1x80xi32, #tpu.memory_space<vmem>> -> memref<80xi32, #tpu.memory_space<vmem>>
      %dma_start3A_669 = arith.constant 0 : i32
      %dma_start3A_670 = arith.constant 0 : i32
      %dma_start3A_671 = tpu.memref_slice %arg10[%dma_start3A_669, %dma_start3A_670] : memref<10000x128xf32, #tpu.memory_space<vmem_shared>> -> memref<10000x128xf32, #tpu.memory_space<vmem_shared>>
      tpu.enqueue_indirect_dma source(%dma_start3A_665 : memref<80x128xf32, #tpu.memory_space<vmem>>) target(%dma_start3A_671 : memref<10000x128xf32, #tpu.memory_space<vmem_shared>>) offsets(%dma_start3A_668 : memref<80xi32, #tpu.memory_space<vmem>>) semaphore(%arg17 : memref<!tpu.dma_semaphore, #tpu.memory_space<semaphore_mem>>) {add = true}
    }
    %scan3A_122 = arith.constant 31 : i32
    %dma_wait3A = arith.constant 0 : i32
    %dma_wait3A_123 = arith.constant 0 : i32
    %dma_wait3A_124 = arith.constant 0 : i32
    %dma_wait3A_125 = arith.constant 0 : i32
    %dma_wait3A_126 = tpu.memref_slice %arg6[%dma_wait3A_123, %dma_wait3A_124, %dma_wait3A_125] : memref<4x2x80xi32, #tpu.memory_space<vmem>> -> memref<1x2x80xi32, #tpu.memory_space<vmem>>
    %dma_wait3A_127 = tpu.memref_squeeze %dma_wait3A_126 : memref<1x2x80xi32, #tpu.memory_space<vmem>> -> memref<2x80xi32, #tpu.memory_space<vmem>>
    %dma_wait3A_128 = arith.constant 0 : i32
    %dma_wait3A_129 = arith.constant 0 : i32
    %dma_wait3A_130 = tpu.memref_slice %arg2[%dma_wait3A, %dma_wait3A_128, %dma_wait3A_129] : memref<4008x2x80xi32, #tpu.memory_space<hbm>> -> memref<1x2x80xi32, #tpu.memory_space<hbm>>
    %dma_wait3A_131 = tpu.memref_squeeze %dma_wait3A_130 : memref<1x2x80xi32, #tpu.memory_space<hbm>> -> memref<2x80xi32, #tpu.memory_space<hbm>>
    %dma_wait3A_132 = arith.constant 0 : i32
    %dma_wait3A_133 = arith.constant 0 : i32
    %dma_wait3A_134 = tpu.memref_slice %arg6[%dma_wait3A_123, %dma_wait3A_132, %dma_wait3A_133] : memref<4x2x80xi32, #tpu.memory_space<vmem>> -> memref<1x2x80xi32, #tpu.memory_space<vmem>>
    %dma_wait3A_135 = tpu.memref_squeeze %dma_wait3A_134 : memref<1x2x80xi32, #tpu.memory_space<vmem>> -> memref<2x80xi32, #tpu.memory_space<vmem>>
    %dma_wait3A_136 = arith.constant 0 : i32
    %dma_wait3A_137 = arith.constant 0 : i32
    %dma_wait3A_138 = tpu.memref_slice %arg2[%dma_wait3A, %dma_wait3A_136, %dma_wait3A_137] : memref<4008x2x80xi32, #tpu.memory_space<hbm>> -> memref<1x2x80xi32, #tpu.memory_space<hbm>>
    %dma_wait3A_139 = tpu.memref_squeeze %dma_wait3A_138 : memref<1x2x80xi32, #tpu.memory_space<hbm>> -> memref<2x80xi32, #tpu.memory_space<hbm>>
    tpu.wait_dma2 semaphore(%arg11 : memref<!tpu.dma_semaphore, #tpu.memory_space<semaphore_mem>>) src(%dma_wait3A_139 : memref<2x80xi32, #tpu.memory_space<hbm>>) dst(%dma_wait3A_135 : memref<2x80xi32, #tpu.memory_space<vmem>>)
    %dma_start3A_140 = arith.constant 0 : i32
    %dma_start3A_141 = arith.constant 0 : i32
    %dma_start3A_142 = arith.constant 0 : i32
    %dma_start3A_143 = arith.constant 0 : i32
    %dma_start3A_144 = arith.constant 0 : i32
    %dma_start3A_145 = tpu.memref_slice %arg9[%dma_start3A_142, %dma_start3A_143, %dma_start3A_144] : memref<2x80x128xf32, #tpu.memory_space<vmem>> -> memref<1x80x128xf32, #tpu.memory_space<vmem>>
    %dma_start3A_146 = tpu.memref_squeeze %dma_start3A_145 : memref<1x80x128xf32, #tpu.memory_space<vmem>> -> memref<80x128xf32, #tpu.memory_space<vmem>>
    %dma_start3A_147 = arith.constant 0 : i32
    %dma_start3A_148 = tpu.memref_slice %arg6[%dma_start3A_140, %dma_start3A_141, %dma_start3A_147] : memref<4x2x80xi32, #tpu.memory_space<vmem>> -> memref<1x1x80xi32, #tpu.memory_space<vmem>>
    %dma_start3A_149 = tpu.memref_squeeze %dma_start3A_148 : memref<1x1x80xi32, #tpu.memory_space<vmem>> -> memref<80xi32, #tpu.memory_space<vmem>>
    %dma_start3A_150 = arith.constant 0 : i32
    %dma_start3A_151 = arith.constant 0 : i32
    %dma_start3A_152 = tpu.memref_slice %arg3[%dma_start3A_150, %dma_start3A_151] : memref<10000x128xf32, #tpu.memory_space<hbm>> -> memref<10000x128xf32, #tpu.memory_space<hbm>>
    tpu.enqueue_indirect_dma source(%dma_start3A_152 : memref<10000x128xf32, #tpu.memory_space<hbm>>) target(%dma_start3A_146 : memref<80x128xf32, #tpu.memory_space<vmem>>) offsets(%dma_start3A_149 : memref<80xi32, #tpu.memory_space<vmem>>) semaphore(%arg15 : memref<!tpu.dma_semaphore, #tpu.memory_space<semaphore_mem>>)
    %dma_wait3A_153 = arith.constant 0 : i32
    %dma_wait3A_154 = arith.constant 0 : i32
    %dma_wait3A_155 = arith.constant 0 : i32
    %dma_wait3A_156 = arith.constant 0 : i32
    %dma_wait3A_157 = arith.constant 0 : i32
    %dma_wait3A_158 = tpu.memref_slice %arg9[%dma_wait3A_155, %dma_wait3A_156, %dma_wait3A_157] : memref<2x80x128xf32, #tpu.memory_space<vmem>> -> memref<1x80x128xf32, #tpu.memory_space<vmem>>
    %dma_wait3A_159 = tpu.memref_squeeze %dma_wait3A_158 : memref<1x80x128xf32, #tpu.memory_space<vmem>> -> memref<80x128xf32, #tpu.memory_space<vmem>>
    %dma_wait3A_160 = arith.constant 0 : i32
    %dma_wait3A_161 = tpu.memref_slice %arg6[%dma_wait3A_153, %dma_wait3A_154, %dma_wait3A_160] : memref<4x2x80xi32, #tpu.memory_space<vmem>> -> memref<1x1x80xi32, #tpu.memory_space<vmem>>
    %dma_wait3A_162 = tpu.memref_squeeze %dma_wait3A_161 : memref<1x1x80xi32, #tpu.memory_space<vmem>> -> memref<80xi32, #tpu.memory_space<vmem>>
    %dma_wait3A_163 = arith.constant 0 : i32
    %dma_wait3A_164 = arith.constant 0 : i32
    %dma_wait3A_165 = tpu.memref_slice %arg3[%dma_wait3A_163, %dma_wait3A_164] : memref<10000x128xf32, #tpu.memory_space<hbm>> -> memref<10000x128xf32, #tpu.memory_space<hbm>>
    tpu.wait_indirect_dma semaphore(%arg15 : memref<!tpu.dma_semaphore, #tpu.memory_space<semaphore_mem>>) src(%dma_wait3A_165 : memref<10000x128xf32, #tpu.memory_space<hbm>>) dst(%dma_wait3A_159 : memref<80x128xf32, #tpu.memory_space<vmem>>)
    %dma_wait3A_166 = arith.constant 0 : i32
    %dma_wait3A_167 = arith.constant 0 : i32
    %dma_wait3A_168 = arith.constant 1 : i32
    %dma_wait3A_169 = arith.constant 0 : i32
    %dma_wait3A_170 = arith.constant 0 : i32
    %dma_wait3A_171 = tpu.memref_slice %arg9[%dma_wait3A_166, %dma_wait3A_169, %dma_wait3A_170] : memref<2x80x128xf32, #tpu.memory_space<vmem>> -> memref<1x80x128xf32, #tpu.memory_space<vmem>>
    %dma_wait3A_172 = tpu.memref_squeeze %dma_wait3A_171 : memref<1x80x128xf32, #tpu.memory_space<vmem>> -> memref<80x128xf32, #tpu.memory_space<vmem>>
    %dma_wait3A_173 = arith.constant 0 : i32
    %dma_wait3A_174 = tpu.memref_slice %arg6[%dma_wait3A_167, %dma_wait3A_168, %dma_wait3A_173] : memref<4x2x80xi32, #tpu.memory_space<vmem>> -> memref<1x1x80xi32, #tpu.memory_space<vmem>>
    %dma_wait3A_175 = tpu.memref_squeeze %dma_wait3A_174 : memref<1x1x80xi32, #tpu.memory_space<vmem>> -> memref<80xi32, #tpu.memory_space<vmem>>
    %dma_wait3A_176 = arith.constant 0 : i32
    %dma_wait3A_177 = arith.constant 0 : i32
    %dma_wait3A_178 = tpu.memref_slice %arg10[%dma_wait3A_176, %dma_wait3A_177] : memref<10000x128xf32, #tpu.memory_space<vmem_shared>> -> memref<10000x128xf32, #tpu.memory_space<vmem_shared>>
    tpu.wait_indirect_dma semaphore(%arg17 : memref<!tpu.dma_semaphore, #tpu.memory_space<semaphore_mem>>) src(%dma_wait3A_172 : memref<80x128xf32, #tpu.memory_space<vmem>>) dst(%dma_wait3A_178 : memref<10000x128xf32, #tpu.memory_space<vmem_shared>>)
    %dma_start3A_179 = arith.constant 0 : i32
    %dma_start3A_180 = arith.constant 0 : i32
    %dma_start3A_181 = arith.constant 1 : i32
    %dma_start3A_182 = arith.constant 0 : i32
    %dma_start3A_183 = arith.constant 0 : i32
    %dma_start3A_184 = tpu.memref_slice %arg9[%dma_start3A_179, %dma_start3A_182, %dma_start3A_183] : memref<2x80x128xf32, #tpu.memory_space<vmem>> -> memref<1x80x128xf32, #tpu.memory_space<vmem>>
    %dma_start3A_185 = tpu.memref_squeeze %dma_start3A_184 : memref<1x80x128xf32, #tpu.memory_space<vmem>> -> memref<80x128xf32, #tpu.memory_space<vmem>>
    %dma_start3A_186 = arith.constant 0 : i32
    %dma_start3A_187 = tpu.memref_slice %arg6[%dma_start3A_180, %dma_start3A_181, %dma_start3A_186] : memref<4x2x80xi32, #tpu.memory_space<vmem>> -> memref<1x1x80xi32, #tpu.memory_space<vmem>>
    %dma_start3A_188 = tpu.memref_squeeze %dma_start3A_187 : memref<1x1x80xi32, #tpu.memory_space<vmem>> -> memref<80xi32, #tpu.memory_space<vmem>>
    %dma_start3A_189 = arith.constant 0 : i32
    %dma_start3A_190 = arith.constant 0 : i32
    %dma_start3A_191 = tpu.memref_slice %arg10[%dma_start3A_189, %dma_start3A_190] : memref<10000x128xf32, #tpu.memory_space<vmem_shared>> -> memref<10000x128xf32, #tpu.memory_space<vmem_shared>>
    tpu.enqueue_indirect_dma source(%dma_start3A_185 : memref<80x128xf32, #tpu.memory_space<vmem>>) target(%dma_start3A_191 : memref<10000x128xf32, #tpu.memory_space<vmem_shared>>) offsets(%dma_start3A_188 : memref<80xi32, #tpu.memory_space<vmem>>) semaphore(%arg17 : memref<!tpu.dma_semaphore, #tpu.memory_space<semaphore_mem>>) {add = true}
    %dma_wait3A_192 = arith.constant 0 : i32
    %dma_wait3A_193 = arith.constant 0 : i32
    %dma_wait3A_194 = arith.constant 1 : i32
    %dma_wait3A_195 = arith.constant 0 : i32
    %dma_wait3A_196 = arith.constant 0 : i32
    %dma_wait3A_197 = tpu.memref_slice %arg9[%dma_wait3A_192, %dma_wait3A_195, %dma_wait3A_196] : memref<2x80x128xf32, #tpu.memory_space<vmem>> -> memref<1x80x128xf32, #tpu.memory_space<vmem>>
    %dma_wait3A_198 = tpu.memref_squeeze %dma_wait3A_197 : memref<1x80x128xf32, #tpu.memory_space<vmem>> -> memref<80x128xf32, #tpu.memory_space<vmem>>
    %dma_wait3A_199 = arith.constant 0 : i32
    %dma_wait3A_200 = tpu.memref_slice %arg6[%dma_wait3A_193, %dma_wait3A_194, %dma_wait3A_199] : memref<4x2x80xi32, #tpu.memory_space<vmem>> -> memref<1x1x80xi32, #tpu.memory_space<vmem>>
    %dma_wait3A_201 = tpu.memref_squeeze %dma_wait3A_200 : memref<1x1x80xi32, #tpu.memory_space<vmem>> -> memref<80xi32, #tpu.memory_space<vmem>>
    %dma_wait3A_202 = arith.constant 0 : i32
    %dma_wait3A_203 = arith.constant 0 : i32
    %dma_wait3A_204 = tpu.memref_slice %arg10[%dma_wait3A_202, %dma_wait3A_203] : memref<10000x128xf32, #tpu.memory_space<vmem_shared>> -> memref<10000x128xf32, #tpu.memory_space<vmem_shared>>
    tpu.wait_indirect_dma semaphore(%arg17 : memref<!tpu.dma_semaphore, #tpu.memory_space<semaphore_mem>>) src(%dma_wait3A_198 : memref<80x128xf32, #tpu.memory_space<vmem>>) dst(%dma_wait3A_204 : memref<10000x128xf32, #tpu.memory_space<vmem_shared>>)
    %dma_wait3A_205 = arith.constant 0 : i32
    %dma_wait3A_206 = arith.constant 2 : i32
    %dma_wait3A_207 = arith.constant 0 : i32
    %dma_wait3A_208 = arith.constant 0 : i32
    %dma_wait3A_209 = tpu.memref_slice %arg6[%dma_wait3A_206, %dma_wait3A_207, %dma_wait3A_208] : memref<4x2x80xi32, #tpu.memory_space<vmem>> -> memref<1x2x80xi32, #tpu.memory_space<vmem>>
    %dma_wait3A_210 = tpu.memref_squeeze %dma_wait3A_209 : memref<1x2x80xi32, #tpu.memory_space<vmem>> -> memref<2x80xi32, #tpu.memory_space<vmem>>
    %dma_wait3A_211 = arith.constant 0 : i32
    %dma_wait3A_212 = arith.constant 0 : i32
    %dma_wait3A_213 = tpu.memref_slice %arg2[%dma_wait3A_205, %dma_wait3A_211, %dma_wait3A_212] : memref<4008x2x80xi32, #tpu.memory_space<hbm>> -> memref<1x2x80xi32, #tpu.memory_space<hbm>>
    %dma_wait3A_214 = tpu.memref_squeeze %dma_wait3A_213 : memref<1x2x80xi32, #tpu.memory_space<hbm>> -> memref<2x80xi32, #tpu.memory_space<hbm>>
    %dma_wait3A_215 = arith.constant 0 : i32
    %dma_wait3A_216 = arith.constant 0 : i32
    %dma_wait3A_217 = tpu.memref_slice %arg6[%dma_wait3A_206, %dma_wait3A_215, %dma_wait3A_216] : memref<4x2x80xi32, #tpu.memory_space<vmem>> -> memref<1x2x80xi32, #tpu.memory_space<vmem>>
    %dma_wait3A_218 = tpu.memref_squeeze %dma_wait3A_217 : memref<1x2x80xi32, #tpu.memory_space<vmem>> -> memref<2x80xi32, #tpu.memory_space<vmem>>
    %dma_wait3A_219 = arith.constant 0 : i32
    %dma_wait3A_220 = arith.constant 0 : i32
    %dma_wait3A_221 = tpu.memref_slice %arg2[%dma_wait3A_205, %dma_wait3A_219, %dma_wait3A_220] : memref<4008x2x80xi32, #tpu.memory_space<hbm>> -> memref<1x2x80xi32, #tpu.memory_space<hbm>>
    %dma_wait3A_222 = tpu.memref_squeeze %dma_wait3A_221 : memref<1x2x80xi32, #tpu.memory_space<hbm>> -> memref<2x80xi32, #tpu.memory_space<hbm>>
    tpu.wait_dma2 semaphore(%arg13 : memref<!tpu.dma_semaphore, #tpu.memory_space<semaphore_mem>>) src(%dma_wait3A_222 : memref<2x80xi32, #tpu.memory_space<hbm>>) dst(%dma_wait3A_218 : memref<2x80xi32, #tpu.memory_space<vmem>>)
    %barrier3A_223 = arith.constant 0 : index
    tpu.barrier barrier_id(%barrier3A_223)
    %sub3A_224 = arith.constant 125 : i32
    %sub3A_225 = arith.subi %sub3A_224, %arg1 : i32
    %sub3A_226 = arith.constant 16 : i32
    %sub3A_227 = arith.constant 1 : i32
    %sub3A_228 = arith.subi %sub3A_226, %sub3A_227 : i32
    %add3A_229 = arith.addi %sub3A_225, %sub3A_228 : i32
    %div3A_230 = arith.constant 16 : i32
    %div3A_231 = arith.divsi %add3A_229, %div3A_230 : i32
    %while3A_232 = arith.constant 16 : i32
    %while3A_233 = arith.constant 0 : i32
    %while3A_234 = arith.subi %div3A_231, %while3A_233 : i32
    %while3A_235 = arith.addi %while3A_233, %while3A_234 : i32
    %while3A_236 = arith.constant 1 : i32
    %while3A_237 = arith.divsi %while3A_234, %while3A_236 : i32
    %while3A_238 = arith.muli %while3A_237, %while3A_236 : i32
    %while3A_239 = arith.addi %while3A_233, %while3A_238 : i32
    %while3A_240 = arith.constant 1 : i32
    scf.for %while3A_299 = %while3A_233 to %while3A_239 step %while3A_240  : i32 {
      %mul3A_300 = arith.muli %while3A_299, %while3A_232 : i32
      %add3A_301 = arith.addi %arg1, %mul3A_300 : i32
      %mul3A_302 = arith.constant 80 : i32
      %mul3A_303 = arith.muli %add3A_301, %mul3A_302 : i32
      %scan3A_304 = arith.constant 0 : i32
      %scan3A_305 = arith.constant 5 : i32
      %scan3A_306 = arith.addi %scan3A_304, %scan3A_305 : i32
      %scan3A_307 = arith.constant 1 : i32
      scf.for %scan3A_310 = %scan3A_304 to %scan3A_306 step %scan3A_307  : i32 {
        %mul3A_311 = arith.constant 16 : i32
        %mul3A_312 = arith.muli %scan3A_310, %mul3A_311 : i32
        %add3A_313 = arith.constant 0 : i32
        %add3A_314 = arith.addi %add3A_313, %mul3A_312 : i32
        %iota3A = tpu.iota {dimensions = array<i32: 0>} : vector<16xi32>
        %add3A_315 = arith.addi %mul3A_303, %add3A_314 : i32
        %add3A_316 = vector.broadcast %add3A_315 : i32 to vector<16xi32>
        %add3A_317 = arith.addi %iota3A, %add3A_316 : vector<16xi32>
        %swap3A = arith.index_cast %add3A_314 : i32 to index
        %swap3A_318 = tpu.vector_load %arg8[%swap3A] {strides = array<i32>} : memref<80xi32, #tpu.memory_space<vmem>>, vector<16xi32>,
        %swap3A_319 = vector.shape_cast %swap3A_318 : vector<16xi32> to vector<16xi32>
        %swap3A_320 = vector.shape_cast %add3A_317 : vector<16xi32> to vector<16xi32>
        tpu.vector_store %arg8[%swap3A], %swap3A_320 {strides = array<i32>} : memref<80xi32, #tpu.memory_space<vmem>>, vector<16xi32>,
      }
      %scan3A_308 = arith.constant 5 : i32
      %run_scoped3A = arith.constant 1 : i32
      "tpu.region"() ({
        %run_scoped3A_310 = tpu.sem_alloc : memref<!tpu.dma_semaphore, #tpu.memory_space<semaphore_mem>>
        %dma_start3A_311 = arith.constant 0 : i32
        %dma_start3A_312 = arith.constant 0 : i32
        %dma_start3A_313 = tpu.memref_slice %arg9[%run_scoped3A, %dma_start3A_311, %dma_start3A_312] : memref<2x80x128xf32, #tpu.memory_space<vmem>> -> memref<1x80x128xf32, #tpu.memory_space<vmem>>
        %dma_start3A_314 = tpu.memref_squeeze %dma_start3A_313 : memref<1x80x128xf32, #tpu.memory_space<vmem>> -> memref<80x128xf32, #tpu.memory_space<vmem>>
        %dma_start3A_315 = arith.constant 0 : i32
        %dma_start3A_316 = arith.constant 0 : i32
        %dma_start3A_317 = tpu.memref_slice %arg10[%dma_start3A_315, %dma_start3A_316] : memref<10000x128xf32, #tpu.memory_space<vmem_shared>> -> memref<10000x128xf32, #tpu.memory_space<vmem_shared>>
        tpu.enqueue_indirect_dma source(%dma_start3A_317 : memref<10000x128xf32, #tpu.memory_space<vmem_shared>>) target(%dma_start3A_314 : memref<80x128xf32, #tpu.memory_space<vmem>>) offsets(%arg8 : memref<80xi32, #tpu.memory_space<vmem>>) semaphore(%run_scoped3A_310 : memref<!tpu.dma_semaphore, #tpu.memory_space<semaphore_mem>>)
        %dma_wait3A_318 = arith.constant 0 : i32
        %dma_wait3A_319 = arith.constant 0 : i32
        %dma_wait3A_320 = tpu.memref_slice %arg9[%run_scoped3A, %dma_wait3A_318, %dma_wait3A_319] : memref<2x80x128xf32, #tpu.memory_space<vmem>> -> memref<1x80x128xf32, #tpu.memory_space<vmem>>
        %dma_wait3A_321 = tpu.memref_squeeze %dma_wait3A_320 : memref<1x80x128xf32, #tpu.memory_space<vmem>> -> memref<80x128xf32, #tpu.memory_space<vmem>>
        %dma_wait3A_322 = arith.constant 0 : i32
        %dma_wait3A_323 = arith.constant 0 : i32
        %dma_wait3A_324 = tpu.memref_slice %arg10[%dma_wait3A_322, %dma_wait3A_323] : memref<10000x128xf32, #tpu.memory_space<vmem_shared>> -> memref<10000x128xf32, #tpu.memory_space<vmem_shared>>
        tpu.wait_indirect_dma semaphore(%run_scoped3A_310 : memref<!tpu.dma_semaphore, #tpu.memory_space<semaphore_mem>>) src(%dma_wait3A_324 : memref<10000x128xf32, #tpu.memory_space<vmem_shared>>) dst(%dma_wait3A_321 : memref<80x128xf32, #tpu.memory_space<vmem>>)
        tpu.yield
      }) : () -> ()
      %run_scoped3A_309 = arith.constant 1 : i32
      "tpu.region"() ({
        %run_scoped3A_310 = tpu.sem_alloc : memref<!tpu.dma_semaphore, #tpu.memory_space<semaphore_mem>>
        %dma_start3A_311 = arith.constant 0 : i32
        %dma_start3A_312 = arith.constant 0 : i32
        %dma_start3A_313 = tpu.memref_slice %arg9[%run_scoped3A_309, %dma_start3A_311, %dma_start3A_312] : memref<2x80x128xf32, #tpu.memory_space<vmem>> -> memref<1x80x128xf32, #tpu.memory_space<vmem>>
        %dma_start3A_314 = tpu.memref_squeeze %dma_start3A_313 : memref<1x80x128xf32, #tpu.memory_space<vmem>> -> memref<80x128xf32, #tpu.memory_space<vmem>>
        %dma_start3A_315 = arith.constant 0 : i32
        %dma_start3A_316 = tpu.memref_slice %arg4[%arg0, %mul3A_303, %dma_start3A_315] : memref<2x10000x128xf32, #tpu.memory_space<hbm>> -> memref<1x80x128xf32, #tpu.memory_space<hbm>>
        %dma_start3A_317 = tpu.memref_squeeze %dma_start3A_316 : memref<1x80x128xf32, #tpu.memory_space<hbm>> -> memref<80x128xf32, #tpu.memory_space<hbm>>
        %dma_start3A_318 = arith.constant 0 : i32
        %dma_start3A_319 = tpu.memref_slice %arg4[%arg0, %mul3A_303, %dma_start3A_318] : memref<2x10000x128xf32, #tpu.memory_space<hbm>> -> memref<1x80x128xf32, #tpu.memory_space<hbm>>
        %dma_start3A_320 = tpu.memref_squeeze %dma_start3A_319 : memref<1x80x128xf32, #tpu.memory_space<hbm>> -> memref<80x128xf32, #tpu.memory_space<hbm>>
        %dma_start3A_321 = arith.constant 0 : i32
        %dma_start3A_322 = arith.constant 0 : i32
        %dma_start3A_323 = tpu.memref_slice %arg9[%run_scoped3A_309, %dma_start3A_321, %dma_start3A_322] : memref<2x80x128xf32, #tpu.memory_space<vmem>> -> memref<1x80x128xf32, #tpu.memory_space<vmem>>
        %dma_start3A_324 = tpu.memref_squeeze %dma_start3A_323 : memref<1x80x128xf32, #tpu.memory_space<vmem>> -> memref<80x128xf32, #tpu.memory_space<vmem>>
        tpu.enqueue_dma source(%dma_start3A_324 : memref<80x128xf32, #tpu.memory_space<vmem>>) target(%dma_start3A_320 : memref<80x128xf32, #tpu.memory_space<hbm>>) target_semaphore(%run_scoped3A_310 : memref<!tpu.dma_semaphore, #tpu.memory_space<semaphore_mem>>)
        %dma_wait3A_325 = arith.constant 0 : i32
        %dma_wait3A_326 = arith.constant 0 : i32
        %dma_wait3A_327 = tpu.memref_slice %arg9[%run_scoped3A_309, %dma_wait3A_325, %dma_wait3A_326] : memref<2x80x128xf32, #tpu.memory_space<vmem>> -> memref<1x80x128xf32, #tpu.memory_space<vmem>>
        %dma_wait3A_328 = tpu.memref_squeeze %dma_wait3A_327 : memref<1x80x128xf32, #tpu.memory_space<vmem>> -> memref<80x128xf32, #tpu.memory_space<vmem>>
        %dma_wait3A_329 = arith.constant 0 : i32
        %dma_wait3A_330 = tpu.memref_slice %arg4[%arg0, %mul3A_303, %dma_wait3A_329] : memref<2x10000x128xf32, #tpu.memory_space<hbm>> -> memref<1x80x128xf32, #tpu.memory_space<hbm>>
        %dma_wait3A_331 = tpu.memref_squeeze %dma_wait3A_330 : memref<1x80x128xf32, #tpu.memory_space<hbm>> -> memref<80x128xf32, #tpu.memory_space<hbm>>
        %dma_wait3A_332 = arith.constant 0 : i32
        %dma_wait3A_333 = tpu.memref_slice %arg4[%arg0, %mul3A_303, %dma_wait3A_332] : memref<2x10000x128xf32, #tpu.memory_space<hbm>> -> memref<1x80x128xf32, #tpu.memory_space<hbm>>
        %dma_wait3A_334 = tpu.memref_squeeze %dma_wait3A_333 : memref<1x80x128xf32, #tpu.memory_space<hbm>> -> memref<80x128xf32, #tpu.memory_space<hbm>>
        %dma_wait3A_335 = arith.constant 0 : i32
        %dma_wait3A_336 = arith.constant 0 : i32
        %dma_wait3A_337 = tpu.memref_slice %arg9[%run_scoped3A_309, %dma_wait3A_335, %dma_wait3A_336] : memref<2x80x128xf32, #tpu.memory_space<vmem>> -> memref<1x80x128xf32, #tpu.memory_space<vmem>>
        %dma_wait3A_338 = tpu.memref_squeeze %dma_wait3A_337 : memref<1x80x128xf32, #tpu.memory_space<vmem>> -> memref<80x128xf32, #tpu.memory_space<vmem>>
        tpu.wait_dma2 semaphore(%run_scoped3A_310 : memref<!tpu.dma_semaphore, #tpu.memory_space<semaphore_mem>>) src(%dma_wait3A_338 : memref<80x128xf32, #tpu.memory_space<vmem>>) dst(%dma_wait3A_334 : memref<80x128xf32, #tpu.memory_space<hbm>>)
        tpu.yield
      }) : () -> ()
    }
    %while3A_241 = arith.constant 1 : i32
    scf.for %while3A_299 = %while3A_239 to %while3A_235 step %while3A_241  : i32 {
      %mul3A_300 = arith.muli %while3A_299, %while3A_232 : i32
      %add3A_301 = arith.addi %arg1, %mul3A_300 : i32
      %mul3A_302 = arith.constant 80 : i32
      %mul3A_303 = arith.muli %add3A_301, %mul3A_302 : i32
      %scan3A_304 = arith.constant 0 : i32
      %scan3A_305 = arith.constant 5 : i32
      %scan3A_306 = arith.addi %scan3A_304, %scan3A_305 : i32
      %scan3A_307 = arith.constant 1 : i32
      scf.for %scan3A_310 = %scan3A_304 to %scan3A_306 step %scan3A_307  : i32 {
        %mul3A_311 = arith.constant 16 : i32
        %mul3A_312 = arith.muli %scan3A_310, %mul3A_311 : i32
        %add3A_313 = arith.constant 0 : i32
        %add3A_314 = arith.addi %add3A_313, %mul3A_312 : i32
        %iota3A = tpu.iota {dimensions = array<i32: 0>} : vector<16xi32>
        %add3A_315 = arith.addi %mul3A_303, %add3A_314 : i32
        %add3A_316 = vector.broadcast %add3A_315 : i32 to vector<16xi32>
        %add3A_317 = arith.addi %iota3A, %add3A_316 : vector<16xi32>
        %swap3A = arith.index_cast %add3A_314 : i32 to index
        %swap3A_318 = tpu.vector_load %arg8[%swap3A] {strides = array<i32>} : memref<80xi32, #tpu.memory_space<vmem>>, vector<16xi32>,
        %swap3A_319 = vector.shape_cast %swap3A_318 : vector<16xi32> to vector<16xi32>
        %swap3A_320 = vector.shape_cast %add3A_317 : vector<16xi32> to vector<16xi32>
        tpu.vector_store %arg8[%swap3A], %swap3A_320 {strides = array<i32>} : memref<80xi32, #tpu.memory_space<vmem>>, vector<16xi32>,
      }
      %scan3A_308 = arith.constant 5 : i32
      %run_scoped3A = arith.constant 1 : i32
      "tpu.region"() ({
        %run_scoped3A_310 = tpu.sem_alloc : memref<!tpu.dma_semaphore, #tpu.memory_space<semaphore_mem>>
        %dma_start3A_311 = arith.constant 0 : i32
        %dma_start3A_312 = arith.constant 0 : i32
        %dma_start3A_313 = tpu.memref_slice %arg9[%run_scoped3A, %dma_start3A_311, %dma_start3A_312] : memref<2x80x128xf32, #tpu.memory_space<vmem>> -> memref<1x80x128xf32, #tpu.memory_space<vmem>>
        %dma_start3A_314 = tpu.memref_squeeze %dma_start3A_313 : memref<1x80x128xf32, #tpu.memory_space<vmem>> -> memref<80x128xf32, #tpu.memory_space<vmem>>
        %dma_start3A_315 = arith.constant 0 : i32
        %dma_start3A_316 = arith.constant 0 : i32
        %dma_start3A_317 = tpu.memref_slice %arg10[%dma_start3A_315, %dma_start3A_316] : memref<10000x128xf32, #tpu.memory_space<vmem_shared>> -> memref<10000x128xf32, #tpu.memory_space<vmem_shared>>
        tpu.enqueue_indirect_dma source(%dma_start3A_317 : memref<10000x128xf32, #tpu.memory_space<vmem_shared>>) target(%dma_start3A_314 : memref<80x128xf32, #tpu.memory_space<vmem>>) offsets(%arg8 : memref<80xi32, #tpu.memory_space<vmem>>) semaphore(%run_scoped3A_310 : memref<!tpu.dma_semaphore, #tpu.memory_space<semaphore_mem>>)
        %dma_wait3A_318 = arith.constant 0 : i32
        %dma_wait3A_319 = arith.constant 0 : i32
        %dma_wait3A_320 = tpu.memref_slice %arg9[%run_scoped3A, %dma_wait3A_318, %dma_wait3A_319] : memref<2x80x128xf32, #tpu.memory_space<vmem>> -> memref<1x80x128xf32, #tpu.memory_space<vmem>>
        %dma_wait3A_321 = tpu.memref_squeeze %dma_wait3A_320 : memref<1x80x128xf32, #tpu.memory_space<vmem>> -> memref<80x128xf32, #tpu.memory_space<vmem>>
        %dma_wait3A_322 = arith.constant 0 : i32
        %dma_wait3A_323 = arith.constant 0 : i32
        %dma_wait3A_324 = tpu.memref_slice %arg10[%dma_wait3A_322, %dma_wait3A_323] : memref<10000x128xf32, #tpu.memory_space<vmem_shared>> -> memref<10000x128xf32, #tpu.memory_space<vmem_shared>>
        tpu.wait_indirect_dma semaphore(%run_scoped3A_310 : memref<!tpu.dma_semaphore, #tpu.memory_space<semaphore_mem>>) src(%dma_wait3A_324 : memref<10000x128xf32, #tpu.memory_space<vmem_shared>>) dst(%dma_wait3A_321 : memref<80x128xf32, #tpu.memory_space<vmem>>)
        tpu.yield
      }) : () -> ()
      %run_scoped3A_309 = arith.constant 1 : i32
      "tpu.region"() ({
        %run_scoped3A_310 = tpu.sem_alloc : memref<!tpu.dma_semaphore, #tpu.memory_space<semaphore_mem>>
        %dma_start3A_311 = arith.constant 0 : i32
        %dma_start3A_312 = arith.constant 0 : i32
        %dma_start3A_313 = tpu.memref_slice %arg9[%run_scoped3A_309, %dma_start3A_311, %dma_start3A_312] : memref<2x80x128xf32, #tpu.memory_space<vmem>> -> memref<1x80x128xf32, #tpu.memory_space<vmem>>
        %dma_start3A_314 = tpu.memref_squeeze %dma_start3A_313 : memref<1x80x128xf32, #tpu.memory_space<vmem>> -> memref<80x128xf32, #tpu.memory_space<vmem>>
        %dma_start3A_315 = arith.constant 0 : i32
        %dma_start3A_316 = tpu.memref_slice %arg4[%arg0, %mul3A_303, %dma_start3A_315] : memref<2x10000x128xf32, #tpu.memory_space<hbm>> -> memref<1x80x128xf32, #tpu.memory_space<hbm>>
        %dma_start3A_317 = tpu.memref_squeeze %dma_start3A_316 : memref<1x80x128xf32, #tpu.memory_space<hbm>> -> memref<80x128xf32, #tpu.memory_space<hbm>>
        %dma_start3A_318 = arith.constant 0 : i32
        %dma_start3A_319 = tpu.memref_slice %arg4[%arg0, %mul3A_303, %dma_start3A_318] : memref<2x10000x128xf32, #tpu.memory_space<hbm>> -> memref<1x80x128xf32, #tpu.memory_space<hbm>>
        %dma_start3A_320 = tpu.memref_squeeze %dma_start3A_319 : memref<1x80x128xf32, #tpu.memory_space<hbm>> -> memref<80x128xf32, #tpu.memory_space<hbm>>
        %dma_start3A_321 = arith.constant 0 : i32
        %dma_start3A_322 = arith.constant 0 : i32
        %dma_start3A_323 = tpu.memref_slice %arg9[%run_scoped3A_309, %dma_start3A_321, %dma_start3A_322] : memref<2x80x128xf32, #tpu.memory_space<vmem>> -> memref<1x80x128xf32, #tpu.memory_space<vmem>>
        %dma_start3A_324 = tpu.memref_squeeze %dma_start3A_323 : memref<1x80x128xf32, #tpu.memory_space<vmem>> -> memref<80x128xf32, #tpu.memory_space<vmem>>
        tpu.enqueue_dma source(%dma_start3A_324 : memref<80x128xf32, #tpu.memory_space<vmem>>) target(%dma_start3A_320 : memref<80x128xf32, #tpu.memory_space<hbm>>) target_semaphore(%run_scoped3A_310 : memref<!tpu.dma_semaphore, #tpu.memory_space<semaphore_mem>>)
        %dma_wait3A_325 = arith.constant 0 : i32
        %dma_wait3A_326 = arith.constant 0 : i32
        %dma_wait3A_327 = tpu.memref_slice %arg9[%run_scoped3A_309, %dma_wait3A_325, %dma_wait3A_326] : memref<2x80x128xf32, #tpu.memory_space<vmem>> -> memref<1x80x128xf32, #tpu.memory_space<vmem>>
        %dma_wait3A_328 = tpu.memref_squeeze %dma_wait3A_327 : memref<1x80x128xf32, #tpu.memory_space<vmem>> -> memref<80x128xf32, #tpu.memory_space<vmem>>
        %dma_wait3A_329 = arith.constant 0 : i32
        %dma_wait3A_330 = tpu.memref_slice %arg4[%arg0, %mul3A_303, %dma_wait3A_329] : memref<2x10000x128xf32, #tpu.memory_space<hbm>> -> memref<1x80x128xf32, #tpu.memory_space<hbm>>
        %dma_wait3A_331 = tpu.memref_squeeze %dma_wait3A_330 : memref<1x80x128xf32, #tpu.memory_space<hbm>> -> memref<80x128xf32, #tpu.memory_space<hbm>>
        %dma_wait3A_332 = arith.constant 0 : i32
        %dma_wait3A_333 = tpu.memref_slice %arg4[%arg0, %mul3A_303, %dma_wait3A_332] : memref<2x10000x128xf32, #tpu.memory_space<hbm>> -> memref<1x80x128xf32, #tpu.memory_space<hbm>>
        %dma_wait3A_334 = tpu.memref_squeeze %dma_wait3A_333 : memref<1x80x128xf32, #tpu.memory_space<hbm>> -> memref<80x128xf32, #tpu.memory_space<hbm>>
        %dma_wait3A_335 = arith.constant 0 : i32
        %dma_wait3A_336 = arith.constant 0 : i32
        %dma_wait3A_337 = tpu.memref_slice %arg9[%run_scoped3A_309, %dma_wait3A_335, %dma_wait3A_336] : memref<2x80x128xf32, #tpu.memory_space<vmem>> -> memref<1x80x128xf32, #tpu.memory_space<vmem>>
        %dma_wait3A_338 = tpu.memref_squeeze %dma_wait3A_337 : memref<1x80x128xf32, #tpu.memory_space<vmem>> -> memref<80x128xf32, #tpu.memory_space<vmem>>
        tpu.wait_dma2 semaphore(%run_scoped3A_310 : memref<!tpu.dma_semaphore, #tpu.memory_space<semaphore_mem>>) src(%dma_wait3A_338 : memref<80x128xf32, #tpu.memory_space<vmem>>) dst(%dma_wait3A_334 : memref<80x128xf32, #tpu.memory_space<hbm>>)
        tpu.yield
      }) : () -> ()
    }
    %barrier3A_242 = arith.constant 0 : index
    tpu.barrier barrier_id(%barrier3A_242)
    %scan3A_243 = arith.constant 0 : i32
    %scan3A_244 = arith.constant 0 : i32
    %scan3A_245 = arith.constant 80 : i32
    %scan3A_246 = arith.addi %scan3A_244, %scan3A_245 : i32
    %scan3A_247 = arith.constant 1 : i32
    scf.for %scan3A_299 = %scan3A_244 to %scan3A_246 step %scan3A_247  : i32 {
      %mul3A_300 = arith.constant 1 : i32
      %mul3A_301 = arith.muli %scan3A_299, %mul3A_300 : i32
      %add3A_302 = arith.constant 0 : i32
      %add3A_303 = arith.addi %add3A_302, %mul3A_301 : i32
      %scan3A_304 = arith.constant 0 : i32
      %scan3A_305 = arith.constant 8 : i32
      %scan3A_306 = arith.addi %scan3A_304, %scan3A_305 : i32
      %scan3A_307 = arith.constant 1 : i32
      scf.for %scan3A_309 = %scan3A_304 to %scan3A_306 step %scan3A_307  : i32 {
        %mul3A_310 = arith.constant 16 : i32
        %mul3A_311 = arith.muli %scan3A_309, %mul3A_310 : i32
        %add3A_312 = arith.constant 0 : i32
        %add3A_313 = arith.addi %add3A_312, %mul3A_311 : i32
        %broadcast_in_dim3A = arith.constant 1.000000e+00 : f32
        %broadcast_in_dim3A_314 = vector.broadcast %broadcast_in_dim3A : f32 to vector<16xf32>
        %swap3A = arith.constant 0 : i32
        %swap3A_315 = arith.constant 0 : i32
        %swap3A_316 = tpu.memref_slice %arg9[%scan3A_243, %swap3A, %swap3A_315] : memref<2x80x128xf32, #tpu.memory_space<vmem>> -> memref<1x80x128xf32, #tpu.memory_space<vmem>>
        %swap3A_317 = tpu.memref_squeeze %swap3A_316 : memref<1x80x128xf32, #tpu.memory_space<vmem>> -> memref<80x128xf32, #tpu.memory_space<vmem>>
        %swap3A_318 = arith.index_cast %add3A_303 : i32 to index
        %swap3A_319 = arith.index_cast %add3A_313 : i32 to index
        %swap3A_320 = tpu.vector_load %swap3A_317[%swap3A_318, %swap3A_319] {strides = array<i32>} : memref<80x128xf32, #tpu.memory_space<vmem>>, vector<1x16xf32>,
        %swap3A_321 = vector.shape_cast %swap3A_320 : vector<1x16xf32> to vector<16xf32>
        %swap3A_322 = vector.shape_cast %broadcast_in_dim3A_314 : vector<16xf32> to vector<1x16xf32>
        tpu.vector_store %swap3A_317[%swap3A_318, %swap3A_319], %swap3A_322 {strides = array<i32>} : memref<80x128xf32, #tpu.memory_space<vmem>>, vector<1x16xf32>,
      }
      %scan3A_308 = arith.constant 8 : i32
    }
    %scan3A_248 = arith.constant 80 : i32
    %scan3A_249 = arith.constant 1 : i32
    %scan3A_250 = arith.constant 0 : i32
    %scan3A_251 = arith.constant 80 : i32
    %scan3A_252 = arith.addi %scan3A_250, %scan3A_251 : i32
    %scan3A_253 = arith.constant 1 : i32
    scf.for %scan3A_299 = %scan3A_250 to %scan3A_252 step %scan3A_253  : i32 {
      %mul3A_300 = arith.constant 1 : i32
      %mul3A_301 = arith.muli %scan3A_299, %mul3A_300 : i32
      %add3A_302 = arith.constant 0 : i32
      %add3A_303 = arith.addi %add3A_302, %mul3A_301 : i32
      %scan3A_304 = arith.constant 0 : i32
      %scan3A_305 = arith.constant 8 : i32
      %scan3A_306 = arith.addi %scan3A_304, %scan3A_305 : i32
      %scan3A_307 = arith.constant 1 : i32
      scf.for %scan3A_309 = %scan3A_304 to %scan3A_306 step %scan3A_307  : i32 {
        %mul3A_310 = arith.constant 16 : i32
        %mul3A_311 = arith.muli %scan3A_309, %mul3A_310 : i32
        %add3A_312 = arith.constant 0 : i32
        %add3A_313 = arith.addi %add3A_312, %mul3A_311 : i32
        %broadcast_in_dim3A = arith.constant 0.000000e+00 : f32
        %broadcast_in_dim3A_314 = vector.broadcast %broadcast_in_dim3A : f32 to vector<16xf32>
        %swap3A = arith.constant 0 : i32
        %swap3A_315 = arith.constant 0 : i32
        %swap3A_316 = tpu.memref_slice %arg9[%scan3A_249, %swap3A, %swap3A_315] : memref<2x80x128xf32, #tpu.memory_space<vmem>> -> memref<1x80x128xf32, #tpu.memory_space<vmem>>
        %swap3A_317 = tpu.memref_squeeze %swap3A_316 : memref<1x80x128xf32, #tpu.memory_space<vmem>> -> memref<80x128xf32, #tpu.memory_space<vmem>>
        %swap3A_318 = arith.index_cast %add3A_303 : i32 to index
        %swap3A_319 = arith.index_cast %add3A_313 : i32 to index
        %swap3A_320 = tpu.vector_load %swap3A_317[%swap3A_318, %swap3A_319] {strides = array<i32>} : memref<80x128xf32, #tpu.memory_space<vmem>>, vector<1x16xf32>,
        %swap3A_321 = vector.shape_cast %swap3A_320 : vector<1x16xf32> to vector<16xf32>
        %swap3A_322 = vector.shape_cast %broadcast_in_dim3A_314 : vector<16xf32> to vector<1x16xf32>
        tpu.vector_store %swap3A_317[%swap3A_318, %swap3A_319], %swap3A_322 {strides = array<i32>} : memref<80x128xf32, #tpu.memory_space<vmem>>, vector<1x16xf32>,
      }
      %scan3A_308 = arith.constant 8 : i32
    }
    %scan3A_254 = arith.constant 80 : i32
    %sub3A_255 = arith.constant 125 : i32
    %sub3A_256 = arith.subi %sub3A_255, %arg1 : i32
    %sub3A_257 = arith.constant 16 : i32
    %sub3A_258 = arith.constant 1 : i32
    %sub3A_259 = arith.subi %sub3A_257, %sub3A_258 : i32
    %add3A_260 = arith.addi %sub3A_256, %sub3A_259 : i32
    %div3A_261 = arith.constant 16 : i32
    %div3A_262 = arith.divsi %add3A_260, %div3A_261 : i32
    %while3A_263 = arith.constant 16 : i32
    %while3A_264 = arith.constant 1 : i32
    %while3A_265 = arith.constant 0 : i32
    %while3A_266 = arith.subi %div3A_262, %while3A_265 : i32
    %while3A_267 = arith.addi %while3A_265, %while3A_266 : i32
    %while3A_268 = arith.constant 1 : i32
    %while3A_269 = arith.divsi %while3A_266, %while3A_268 : i32
    %while3A_270 = arith.muli %while3A_269, %while3A_268 : i32
    %while3A_271 = arith.addi %while3A_265, %while3A_270 : i32
    %while3A_272 = arith.constant 1 : i32
    scf.for %while3A_299 = %while3A_265 to %while3A_271 step %while3A_272  : i32 {
      %mul3A_300 = arith.muli %while3A_299, %while3A_263 : i32
      %add3A_301 = arith.addi %arg1, %mul3A_300 : i32
      %mul3A_302 = arith.constant 80 : i32
      %mul3A_303 = arith.muli %add3A_301, %mul3A_302 : i32
      %scan3A_304 = arith.constant 0 : i32
      %scan3A_305 = arith.constant 5 : i32
      %scan3A_306 = arith.addi %scan3A_304, %scan3A_305 : i32
      %scan3A_307 = arith.constant 1 : i32
      scf.for %scan3A_309 = %scan3A_304 to %scan3A_306 step %scan3A_307  : i32 {
        %mul3A_310 = arith.constant 16 : i32
        %mul3A_311 = arith.muli %scan3A_309, %mul3A_310 : i32
        %add3A_312 = arith.constant 0 : i32
        %add3A_313 = arith.addi %add3A_312, %mul3A_311 : i32
        %iota3A = tpu.iota {dimensions = array<i32: 0>} : vector<16xi32>
        %add3A_314 = arith.addi %mul3A_303, %add3A_313 : i32
        %add3A_315 = vector.broadcast %add3A_314 : i32 to vector<16xi32>
        %add3A_316 = arith.addi %iota3A, %add3A_315 : vector<16xi32>
        %swap3A = arith.index_cast %add3A_313 : i32 to index
        %swap3A_317 = tpu.vector_load %arg8[%swap3A] {strides = array<i32>} : memref<80xi32, #tpu.memory_space<vmem>>, vector<16xi32>,
        %swap3A_318 = vector.shape_cast %swap3A_317 : vector<16xi32> to vector<16xi32>
        %swap3A_319 = vector.shape_cast %add3A_316 : vector<16xi32> to vector<16xi32>
        tpu.vector_store %arg8[%swap3A], %swap3A_319 {strides = array<i32>} : memref<80xi32, #tpu.memory_space<vmem>>, vector<16xi32>,
      }
      %scan3A_308 = arith.constant 5 : i32
      "tpu.region"() ({
        %run_scoped3A = tpu.sem_alloc : memref<!tpu.dma_semaphore, #tpu.memory_space<semaphore_mem>>
        %dma_start3A_309 = arith.constant 0 : i32
        %dma_start3A_310 = arith.constant 0 : i32
        %dma_start3A_311 = tpu.memref_slice %arg9[%while3A_264, %dma_start3A_309, %dma_start3A_310] : memref<2x80x128xf32, #tpu.memory_space<vmem>> -> memref<1x80x128xf32, #tpu.memory_space<vmem>>
        %dma_start3A_312 = tpu.memref_squeeze %dma_start3A_311 : memref<1x80x128xf32, #tpu.memory_space<vmem>> -> memref<80x128xf32, #tpu.memory_space<vmem>>
        %dma_start3A_313 = arith.constant 0 : i32
        %dma_start3A_314 = arith.constant 0 : i32
        %dma_start3A_315 = tpu.memref_slice %arg10[%dma_start3A_313, %dma_start3A_314] : memref<10000x128xf32, #tpu.memory_space<vmem_shared>> -> memref<10000x128xf32, #tpu.memory_space<vmem_shared>>
        tpu.enqueue_indirect_dma source(%dma_start3A_312 : memref<80x128xf32, #tpu.memory_space<vmem>>) target(%dma_start3A_315 : memref<10000x128xf32, #tpu.memory_space<vmem_shared>>) offsets(%arg8 : memref<80xi32, #tpu.memory_space<vmem>>) semaphore(%run_scoped3A : memref<!tpu.dma_semaphore, #tpu.memory_space<semaphore_mem>>)
        %dma_wait3A_316 = arith.constant 0 : i32
        %dma_wait3A_317 = arith.constant 0 : i32
        %dma_wait3A_318 = tpu.memref_slice %arg9[%while3A_264, %dma_wait3A_316, %dma_wait3A_317] : memref<2x80x128xf32, #tpu.memory_space<vmem>> -> memref<1x80x128xf32, #tpu.memory_space<vmem>>
        %dma_wait3A_319 = tpu.memref_squeeze %dma_wait3A_318 : memref<1x80x128xf32, #tpu.memory_space<vmem>> -> memref<80x128xf32, #tpu.memory_space<vmem>>
        %dma_wait3A_320 = arith.constant 0 : i32
        %dma_wait3A_321 = arith.constant 0 : i32
        %dma_wait3A_322 = tpu.memref_slice %arg10[%dma_wait3A_320, %dma_wait3A_321] : memref<10000x128xf32, #tpu.memory_space<vmem_shared>> -> memref<10000x128xf32, #tpu.memory_space<vmem_shared>>
        tpu.wait_indirect_dma semaphore(%run_scoped3A : memref<!tpu.dma_semaphore, #tpu.memory_space<semaphore_mem>>) src(%dma_wait3A_319 : memref<80x128xf32, #tpu.memory_space<vmem>>) dst(%dma_wait3A_322 : memref<10000x128xf32, #tpu.memory_space<vmem_shared>>)
        tpu.yield
      }) : () -> ()
    }
    %while3A_273 = arith.constant 1 : i32
    scf.for %while3A_299 = %while3A_271 to %while3A_267 step %while3A_273  : i32 {
      %mul3A_300 = arith.muli %while3A_299, %while3A_263 : i32
      %add3A_301 = arith.addi %arg1, %mul3A_300 : i32
      %mul3A_302 = arith.constant 80 : i32
      %mul3A_303 = arith.muli %add3A_301, %mul3A_302 : i32
      %scan3A_304 = arith.constant 0 : i32
      %scan3A_305 = arith.constant 5 : i32
      %scan3A_306 = arith.addi %scan3A_304, %scan3A_305 : i32
      %scan3A_307 = arith.constant 1 : i32
      scf.for %scan3A_309 = %scan3A_304 to %scan3A_306 step %scan3A_307  : i32 {
        %mul3A_310 = arith.constant 16 : i32
        %mul3A_311 = arith.muli %scan3A_309, %mul3A_310 : i32
        %add3A_312 = arith.constant 0 : i32
        %add3A_313 = arith.addi %add3A_312, %mul3A_311 : i32
        %iota3A = tpu.iota {dimensions = array<i32: 0>} : vector<16xi32>
        %add3A_314 = arith.addi %mul3A_303, %add3A_313 : i32
        %add3A_315 = vector.broadcast %add3A_314 : i32 to vector<16xi32>
        %add3A_316 = arith.addi %iota3A, %add3A_315 : vector<16xi32>
        %swap3A = arith.index_cast %add3A_313 : i32 to index
        %swap3A_317 = tpu.vector_load %arg8[%swap3A] {strides = array<i32>} : memref<80xi32, #tpu.memory_space<vmem>>, vector<16xi32>,
        %swap3A_318 = vector.shape_cast %swap3A_317 : vector<16xi32> to vector<16xi32>
        %swap3A_319 = vector.shape_cast %add3A_316 : vector<16xi32> to vector<16xi32>
        tpu.vector_store %arg8[%swap3A], %swap3A_319 {strides = array<i32>} : memref<80xi32, #tpu.memory_space<vmem>>, vector<16xi32>,
      }
      %scan3A_308 = arith.constant 5 : i32
      "tpu.region"() ({
        %run_scoped3A = tpu.sem_alloc : memref<!tpu.dma_semaphore, #tpu.memory_space<semaphore_mem>>
        %dma_start3A_309 = arith.constant 0 : i32
        %dma_start3A_310 = arith.constant 0 : i32
        %dma_start3A_311 = tpu.memref_slice %arg9[%while3A_264, %dma_start3A_309, %dma_start3A_310] : memref<2x80x128xf32, #tpu.memory_space<vmem>> -> memref<1x80x128xf32, #tpu.memory_space<vmem>>
        %dma_start3A_312 = tpu.memref_squeeze %dma_start3A_311 : memref<1x80x128xf32, #tpu.memory_space<vmem>> -> memref<80x128xf32, #tpu.memory_space<vmem>>
        %dma_start3A_313 = arith.constant 0 : i32
        %dma_start3A_314 = arith.constant 0 : i32
        %dma_start3A_315 = tpu.memref_slice %arg10[%dma_start3A_313, %dma_start3A_314] : memref<10000x128xf32, #tpu.memory_space<vmem_shared>> -> memref<10000x128xf32, #tpu.memory_space<vmem_shared>>
        tpu.enqueue_indirect_dma source(%dma_start3A_312 : memref<80x128xf32, #tpu.memory_space<vmem>>) target(%dma_start3A_315 : memref<10000x128xf32, #tpu.memory_space<vmem_shared>>) offsets(%arg8 : memref<80xi32, #tpu.memory_space<vmem>>) semaphore(%run_scoped3A : memref<!tpu.dma_semaphore, #tpu.memory_space<semaphore_mem>>)
        %dma_wait3A_316 = arith.constant 0 : i32
        %dma_wait3A_317 = arith.constant 0 : i32
        %dma_wait3A_318 = tpu.memref_slice %arg9[%while3A_264, %dma_wait3A_316, %dma_wait3A_317] : memref<2x80x128xf32, #tpu.memory_space<vmem>> -> memref<1x80x128xf32, #tpu.memory_space<vmem>>
        %dma_wait3A_319 = tpu.memref_squeeze %dma_wait3A_318 : memref<1x80x128xf32, #tpu.memory_space<vmem>> -> memref<80x128xf32, #tpu.memory_space<vmem>>
        %dma_wait3A_320 = arith.constant 0 : i32
        %dma_wait3A_321 = arith.constant 0 : i32
        %dma_wait3A_322 = tpu.memref_slice %arg10[%dma_wait3A_320, %dma_wait3A_321] : memref<10000x128xf32, #tpu.memory_space<vmem_shared>> -> memref<10000x128xf32, #tpu.memory_space<vmem_shared>>
        tpu.wait_indirect_dma semaphore(%run_scoped3A : memref<!tpu.dma_semaphore, #tpu.memory_space<semaphore_mem>>) src(%dma_wait3A_319 : memref<80x128xf32, #tpu.memory_space<vmem>>) dst(%dma_wait3A_322 : memref<10000x128xf32, #tpu.memory_space<vmem_shared>>)
        tpu.yield
      }) : () -> ()
    }
    %barrier3A_274 = arith.constant 0 : index
    tpu.barrier barrier_id(%barrier3A_274)
    %scan3A_275 = arith.constant 0 : i32
    %scan3A_276 = arith.constant 125 : i32
    %scan3A_277 = arith.addi %scan3A_275, %scan3A_276 : i32
    %scan3A_278 = arith.constant 1 : i32
    scf.for %scan3A_299 = %scan3A_275 to %scan3A_277 step %scan3A_278  : i32 {
      %mul3A_300 = arith.constant 1 : i32
      %mul3A_301 = arith.muli %scan3A_299, %mul3A_300 : i32
      %add3A_302 = arith.constant 0 : i32
      %add3A_303 = arith.addi %add3A_302, %mul3A_301 : i32
      %add3A_304 = arith.addi %mul3A_2, %add3A_303 : i32
      "tpu.region"() ({
        %run_scoped3A_306 = tpu.sem_alloc : memref<!tpu.dma_semaphore, #tpu.memory_space<semaphore_mem>>
        %dma_start3A_307 = arith.constant 0 : i32
        %dma_start3A_308 = arith.constant 0 : i32
        %dma_start3A_309 = tpu.memref_slice %arg2[%add3A_304, %dma_start3A_307, %dma_start3A_308] : memref<4008x2x80xi32, #tpu.memory_space<hbm>> -> memref<1x2x80xi32, #tpu.memory_space<hbm>>
        %dma_start3A_310 = tpu.memref_squeeze %dma_start3A_309 : memref<1x2x80xi32, #tpu.memory_space<hbm>> -> memref<2x80xi32, #tpu.memory_space<hbm>>
        %dma_start3A_311 = arith.constant 0 : i32
        %dma_start3A_312 = arith.constant 0 : i32
        %dma_start3A_313 = tpu.memref_slice %arg2[%add3A_304, %dma_start3A_311, %dma_start3A_312] : memref<4008x2x80xi32, #tpu.memory_space<hbm>> -> memref<1x2x80xi32, #tpu.memory_space<hbm>>
        %dma_start3A_314 = tpu.memref_squeeze %dma_start3A_313 : memref<1x2x80xi32, #tpu.memory_space<hbm>> -> memref<2x80xi32, #tpu.memory_space<hbm>>
        tpu.enqueue_dma source(%dma_start3A_314 : memref<2x80xi32, #tpu.memory_space<hbm>>) target(%arg7 : memref<2x80xi32, #tpu.memory_space<vmem>>) target_semaphore(%run_scoped3A_306 : memref<!tpu.dma_semaphore, #tpu.memory_space<semaphore_mem>>)
        %dma_wait3A_315 = arith.constant 0 : i32
        %dma_wait3A_316 = arith.constant 0 : i32
        %dma_wait3A_317 = tpu.memref_slice %arg2[%add3A_304, %dma_wait3A_315, %dma_wait3A_316] : memref<4008x2x80xi32, #tpu.memory_space<hbm>> -> memref<1x2x80xi32, #tpu.memory_space<hbm>>
        %dma_wait3A_318 = tpu.memref_squeeze %dma_wait3A_317 : memref<1x2x80xi32, #tpu.memory_space<hbm>> -> memref<2x80xi32, #tpu.memory_space<hbm>>
        %dma_wait3A_319 = arith.constant 0 : i32
        %dma_wait3A_320 = arith.constant 0 : i32
        %dma_wait3A_321 = tpu.memref_slice %arg2[%add3A_304, %dma_wait3A_319, %dma_wait3A_320] : memref<4008x2x80xi32, #tpu.memory_space<hbm>> -> memref<1x2x80xi32, #tpu.memory_space<hbm>>
        %dma_wait3A_322 = tpu.memref_squeeze %dma_wait3A_321 : memref<1x2x80xi32, #tpu.memory_space<hbm>> -> memref<2x80xi32, #tpu.memory_space<hbm>>
        tpu.wait_dma2 semaphore(%run_scoped3A_306 : memref<!tpu.dma_semaphore, #tpu.memory_space<semaphore_mem>>) src(%dma_wait3A_322 : memref<2x80xi32, #tpu.memory_space<hbm>>) dst(%arg7 : memref<2x80xi32, #tpu.memory_space<vmem>>)
        tpu.yield
      }) : () -> ()
      %run_scoped3A = arith.constant 0 : i32
      %run_scoped3A_305 = arith.constant 1 : i32
      "tpu.region"() ({
        %run_scoped3A_306 = tpu.sem_alloc : memref<!tpu.dma_semaphore, #tpu.memory_space<semaphore_mem>>
        %dma_start3A_307 = arith.constant 0 : i32
        %dma_start3A_308 = arith.constant 0 : i32
        %dma_start3A_309 = tpu.memref_slice %arg9[%run_scoped3A, %dma_start3A_307, %dma_start3A_308] : memref<2x80x128xf32, #tpu.memory_space<vmem>> -> memref<1x80x128xf32, #tpu.memory_space<vmem>>
        %dma_start3A_310 = tpu.memref_squeeze %dma_start3A_309 : memref<1x80x128xf32, #tpu.memory_space<vmem>> -> memref<80x128xf32, #tpu.memory_space<vmem>>
        %dma_start3A_311 = arith.constant 0 : i32
        %dma_start3A_312 = tpu.memref_slice %arg7[%run_scoped3A_305, %dma_start3A_311] : memref<2x80xi32, #tpu.memory_space<vmem>> -> memref<1x80xi32, #tpu.memory_space<vmem>>
        %dma_start3A_313 = tpu.memref_squeeze %dma_start3A_312 : memref<1x80xi32, #tpu.memory_space<vmem>> -> memref<80xi32, #tpu.memory_space<vmem>>
        %dma_start3A_314 = arith.constant 0 : i32
        %dma_start3A_315 = arith.constant 0 : i32
        %dma_start3A_316 = tpu.memref_slice %arg10[%dma_start3A_314, %dma_start3A_315] : memref<10000x128xf32, #tpu.memory_space<vmem_shared>> -> memref<10000x128xf32, #tpu.memory_space<vmem_shared>>
        tpu.enqueue_indirect_dma source(%dma_start3A_310 : memref<80x128xf32, #tpu.memory_space<vmem>>) target(%dma_start3A_316 : memref<10000x128xf32, #tpu.memory_space<vmem_shared>>) offsets(%dma_start3A_313 : memref<80xi32, #tpu.memory_space<vmem>>) semaphore(%run_scoped3A_306 : memref<!tpu.dma_semaphore, #tpu.memory_space<semaphore_mem>>) {add = true}
        %dma_wait3A_317 = arith.constant 0 : i32
        %dma_wait3A_318 = arith.constant 0 : i32
        %dma_wait3A_319 = tpu.memref_slice %arg9[%run_scoped3A, %dma_wait3A_317, %dma_wait3A_318] : memref<2x80x128xf32, #tpu.memory_space<vmem>> -> memref<1x80x128xf32, #tpu.memory_space<vmem>>
        %dma_wait3A_320 = tpu.memref_squeeze %dma_wait3A_319 : memref<1x80x128xf32, #tpu.memory_space<vmem>> -> memref<80x128xf32, #tpu.memory_space<vmem>>
        %dma_wait3A_321 = arith.constant 0 : i32
        %dma_wait3A_322 = tpu.memref_slice %arg7[%run_scoped3A_305, %dma_wait3A_321] : memref<2x80xi32, #tpu.memory_space<vmem>> -> memref<1x80xi32, #tpu.memory_space<vmem>>
        %dma_wait3A_323 = tpu.memref_squeeze %dma_wait3A_322 : memref<1x80xi32, #tpu.memory_space<vmem>> -> memref<80xi32, #tpu.memory_space<vmem>>
        %dma_wait3A_324 = arith.constant 0 : i32
        %dma_wait3A_325 = arith.constant 0 : i32
        %dma_wait3A_326 = tpu.memref_slice %arg10[%dma_wait3A_324, %dma_wait3A_325] : memref<10000x128xf32, #tpu.memory_space<vmem_shared>> -> memref<10000x128xf32, #tpu.memory_space<vmem_shared>>
        tpu.wait_indirect_dma semaphore(%run_scoped3A_306 : memref<!tpu.dma_semaphore, #tpu.memory_space<semaphore_mem>>) src(%dma_wait3A_320 : memref<80x128xf32, #tpu.memory_space<vmem>>) dst(%dma_wait3A_326 : memref<10000x128xf32, #tpu.memory_space<vmem_shared>>)
        tpu.yield
      }) : () -> ()
    }
    %scan3A_279 = arith.constant 125 : i32
    %barrier3A_280 = arith.constant 0 : index
    tpu.barrier barrier_id(%barrier3A_280)
    %sub3A_281 = arith.constant 125 : i32
    %sub3A_282 = arith.subi %sub3A_281, %arg1 : i32
    %sub3A_283 = arith.constant 16 : i32
    %sub3A_284 = arith.constant 1 : i32
    %sub3A_285 = arith.subi %sub3A_283, %sub3A_284 : i32
    %add3A_286 = arith.addi %sub3A_282, %sub3A_285 : i32
    %div3A_287 = arith.constant 16 : i32
    %div3A_288 = arith.divsi %add3A_286, %div3A_287 : i32
    %while3A_289 = arith.constant 16 : i32
    %while3A_290 = arith.constant 0 : i32
    %while3A_291 = arith.subi %div3A_288, %while3A_290 : i32
    %while3A_292 = arith.addi %while3A_290, %while3A_291 : i32
    %while3A_293 = arith.constant 1 : i32
    %while3A_294 = arith.divsi %while3A_291, %while3A_293 : i32
    %while3A_295 = arith.muli %while3A_294, %while3A_293 : i32
    %while3A_296 = arith.addi %while3A_290, %while3A_295 : i32
    %while3A_297 = arith.constant 1 : i32
    scf.for %while3A_299 = %while3A_290 to %while3A_296 step %while3A_297  : i32 {
      %mul3A_300 = arith.muli %while3A_299, %while3A_289 : i32
      %add3A_301 = arith.addi %arg1, %mul3A_300 : i32
      %mul3A_302 = arith.constant 80 : i32
      %mul3A_303 = arith.muli %add3A_301, %mul3A_302 : i32
      %scan3A_304 = arith.constant 0 : i32
      %scan3A_305 = arith.constant 5 : i32
      %scan3A_306 = arith.addi %scan3A_304, %scan3A_305 : i32
      %scan3A_307 = arith.constant 1 : i32
      scf.for %scan3A_310 = %scan3A_304 to %scan3A_306 step %scan3A_307  : i32 {
        %mul3A_311 = arith.constant 16 : i32
        %mul3A_312 = arith.muli %scan3A_310, %mul3A_311 : i32
        %add3A_313 = arith.constant 0 : i32
        %add3A_314 = arith.addi %add3A_313, %mul3A_312 : i32
        %iota3A = tpu.iota {dimensions = array<i32: 0>} : vector<16xi32>
        %add3A_315 = arith.addi %mul3A_303, %add3A_314 : i32
        %add3A_316 = vector.broadcast %add3A_315 : i32 to vector<16xi32>
        %add3A_317 = arith.addi %iota3A, %add3A_316 : vector<16xi32>
        %swap3A = arith.index_cast %add3A_314 : i32 to index
        %swap3A_318 = tpu.vector_load %arg8[%swap3A] {strides = array<i32>} : memref<80xi32, #tpu.memory_space<vmem>>, vector<16xi32>,
        %swap3A_319 = vector.shape_cast %swap3A_318 : vector<16xi32> to vector<16xi32>
        %swap3A_320 = vector.shape_cast %add3A_317 : vector<16xi32> to vector<16xi32>
        tpu.vector_store %arg8[%swap3A], %swap3A_320 {strides = array<i32>} : memref<80xi32, #tpu.memory_space<vmem>>, vector<16xi32>,
      }
      %scan3A_308 = arith.constant 5 : i32
      %run_scoped3A = arith.constant 1 : i32
      "tpu.region"() ({
        %run_scoped3A_310 = tpu.sem_alloc : memref<!tpu.dma_semaphore, #tpu.memory_space<semaphore_mem>>
        %dma_start3A_311 = arith.constant 0 : i32
        %dma_start3A_312 = arith.constant 0 : i32
        %dma_start3A_313 = tpu.memref_slice %arg9[%run_scoped3A, %dma_start3A_311, %dma_start3A_312] : memref<2x80x128xf32, #tpu.memory_space<vmem>> -> memref<1x80x128xf32, #tpu.memory_space<vmem>>
        %dma_start3A_314 = tpu.memref_squeeze %dma_start3A_313 : memref<1x80x128xf32, #tpu.memory_space<vmem>> -> memref<80x128xf32, #tpu.memory_space<vmem>>
        %dma_start3A_315 = arith.constant 0 : i32
        %dma_start3A_316 = arith.constant 0 : i32
        %dma_start3A_317 = tpu.memref_slice %arg10[%dma_start3A_315, %dma_start3A_316] : memref<10000x128xf32, #tpu.memory_space<vmem_shared>> -> memref<10000x128xf32, #tpu.memory_space<vmem_shared>>
        tpu.enqueue_indirect_dma source(%dma_start3A_317 : memref<10000x128xf32, #tpu.memory_space<vmem_shared>>) target(%dma_start3A_314 : memref<80x128xf32, #tpu.memory_space<vmem>>) offsets(%arg8 : memref<80xi32, #tpu.memory_space<vmem>>) semaphore(%run_scoped3A_310 : memref<!tpu.dma_semaphore, #tpu.memory_space<semaphore_mem>>)
        %dma_wait3A_318 = arith.constant 0 : i32
        %dma_wait3A_319 = arith.constant 0 : i32
        %dma_wait3A_320 = tpu.memref_slice %arg9[%run_scoped3A, %dma_wait3A_318, %dma_wait3A_319] : memref<2x80x128xf32, #tpu.memory_space<vmem>> -> memref<1x80x128xf32, #tpu.memory_space<vmem>>
        %dma_wait3A_321 = tpu.memref_squeeze %dma_wait3A_320 : memref<1x80x128xf32, #tpu.memory_space<vmem>> -> memref<80x128xf32, #tpu.memory_space<vmem>>
        %dma_wait3A_322 = arith.constant 0 : i32
        %dma_wait3A_323 = arith.constant 0 : i32
        %dma_wait3A_324 = tpu.memref_slice %arg10[%dma_wait3A_322, %dma_wait3A_323] : memref<10000x128xf32, #tpu.memory_space<vmem_shared>> -> memref<10000x128xf32, #tpu.memory_space<vmem_shared>>
        tpu.wait_indirect_dma semaphore(%run_scoped3A_310 : memref<!tpu.dma_semaphore, #tpu.memory_space<semaphore_mem>>) src(%dma_wait3A_324 : memref<10000x128xf32, #tpu.memory_space<vmem_shared>>) dst(%dma_wait3A_321 : memref<80x128xf32, #tpu.memory_space<vmem>>)
        tpu.yield
      }) : () -> ()
      %run_scoped3A_309 = arith.constant 1 : i32
      "tpu.region"() ({
        %run_scoped3A_310 = tpu.sem_alloc : memref<!tpu.dma_semaphore, #tpu.memory_space<semaphore_mem>>
        %dma_start3A_311 = arith.constant 0 : i32
        %dma_start3A_312 = arith.constant 0 : i32
        %dma_start3A_313 = tpu.memref_slice %arg9[%run_scoped3A_309, %dma_start3A_311, %dma_start3A_312] : memref<2x80x128xf32, #tpu.memory_space<vmem>> -> memref<1x80x128xf32, #tpu.memory_space<vmem>>
        %dma_start3A_314 = tpu.memref_squeeze %dma_start3A_313 : memref<1x80x128xf32, #tpu.memory_space<vmem>> -> memref<80x128xf32, #tpu.memory_space<vmem>>
        %dma_start3A_315 = arith.constant 0 : i32
        %dma_start3A_316 = tpu.memref_slice %arg5[%arg0, %mul3A_303, %dma_start3A_315] : memref<2x10000x128xf32, #tpu.memory_space<hbm>> -> memref<1x80x128xf32, #tpu.memory_space<hbm>>
        %dma_start3A_317 = tpu.memref_squeeze %dma_start3A_316 : memref<1x80x128xf32, #tpu.memory_space<hbm>> -> memref<80x128xf32, #tpu.memory_space<hbm>>
        %dma_start3A_318 = arith.constant 0 : i32
        %dma_start3A_319 = tpu.memref_slice %arg5[%arg0, %mul3A_303, %dma_start3A_318] : memref<2x10000x128xf32, #tpu.memory_space<hbm>> -> memref<1x80x128xf32, #tpu.memory_space<hbm>>
        %dma_start3A_320 = tpu.memref_squeeze %dma_start3A_319 : memref<1x80x128xf32, #tpu.memory_space<hbm>> -> memref<80x128xf32, #tpu.memory_space<hbm>>
        %dma_start3A_321 = arith.constant 0 : i32
        %dma_start3A_322 = arith.constant 0 : i32
        %dma_start3A_323 = tpu.memref_slice %arg9[%run_scoped3A_309, %dma_start3A_321, %dma_start3A_322] : memref<2x80x128xf32, #tpu.memory_space<vmem>> -> memref<1x80x128xf32, #tpu.memory_space<vmem>>
        %dma_start3A_324 = tpu.memref_squeeze %dma_start3A_323 : memref<1x80x128xf32, #tpu.memory_space<vmem>> -> memref<80x128xf32, #tpu.memory_space<vmem>>
        tpu.enqueue_dma source(%dma_start3A_324 : memref<80x128xf32, #tpu.memory_space<vmem>>) target(%dma_start3A_320 : memref<80x128xf32, #tpu.memory_space<hbm>>) target_semaphore(%run_scoped3A_310 : memref<!tpu.dma_semaphore, #tpu.memory_space<semaphore_mem>>)
        %dma_wait3A_325 = arith.constant 0 : i32
        %dma_wait3A_326 = arith.constant 0 : i32
        %dma_wait3A_327 = tpu.memref_slice %arg9[%run_scoped3A_309, %dma_wait3A_325, %dma_wait3A_326] : memref<2x80x128xf32, #tpu.memory_space<vmem>> -> memref<1x80x128xf32, #tpu.memory_space<vmem>>
        %dma_wait3A_328 = tpu.memref_squeeze %dma_wait3A_327 : memref<1x80x128xf32, #tpu.memory_space<vmem>> -> memref<80x128xf32, #tpu.memory_space<vmem>>
        %dma_wait3A_329 = arith.constant 0 : i32
        %dma_wait3A_330 = tpu.memref_slice %arg5[%arg0, %mul3A_303, %dma_wait3A_329] : memref<2x10000x128xf32, #tpu.memory_space<hbm>> -> memref<1x80x128xf32, #tpu.memory_space<hbm>>
        %dma_wait3A_331 = tpu.memref_squeeze %dma_wait3A_330 : memref<1x80x128xf32, #tpu.memory_space<hbm>> -> memref<80x128xf32, #tpu.memory_space<hbm>>
        %dma_wait3A_332 = arith.constant 0 : i32
        %dma_wait3A_333 = tpu.memref_slice %arg5[%arg0, %mul3A_303, %dma_wait3A_332] : memref<2x10000x128xf32, #tpu.memory_space<hbm>> -> memref<1x80x128xf32, #tpu.memory_space<hbm>>
        %dma_wait3A_334 = tpu.memref_squeeze %dma_wait3A_333 : memref<1x80x128xf32, #tpu.memory_space<hbm>> -> memref<80x128xf32, #tpu.memory_space<hbm>>
        %dma_wait3A_335 = arith.constant 0 : i32
        %dma_wait3A_336 = arith.constant 0 : i32
        %dma_wait3A_337 = tpu.memref_slice %arg9[%run_scoped3A_309, %dma_wait3A_335, %dma_wait3A_336] : memref<2x80x128xf32, #tpu.memory_space<vmem>> -> memref<1x80x128xf32, #tpu.memory_space<vmem>>
        %dma_wait3A_338 = tpu.memref_squeeze %dma_wait3A_337 : memref<1x80x128xf32, #tpu.memory_space<vmem>> -> memref<80x128xf32, #tpu.memory_space<vmem>>
        tpu.wait_dma2 semaphore(%run_scoped3A_310 : memref<!tpu.dma_semaphore, #tpu.memory_space<semaphore_mem>>) src(%dma_wait3A_338 : memref<80x128xf32, #tpu.memory_space<vmem>>) dst(%dma_wait3A_334 : memref<80x128xf32, #tpu.memory_space<hbm>>)
        tpu.yield
      }) : () -> ()
    }
    %while3A_298 = arith.constant 1 : i32
    scf.for %while3A_299 = %while3A_296 to %while3A_292 step %while3A_298  : i32 {
      %mul3A_300 = arith.muli %while3A_299, %while3A_289 : i32
      %add3A_301 = arith.addi %arg1, %mul3A_300 : i32
      %mul3A_302 = arith.constant 80 : i32
      %mul3A_303 = arith.muli %add3A_301, %mul3A_302 : i32
      %scan3A_304 = arith.constant 0 : i32
      %scan3A_305 = arith.constant 5 : i32
      %scan3A_306 = arith.addi %scan3A_304, %scan3A_305 : i32
      %scan3A_307 = arith.constant 1 : i32
      scf.for %scan3A_310 = %scan3A_304 to %scan3A_306 step %scan3A_307  : i32 {
        %mul3A_311 = arith.constant 16 : i32
        %mul3A_312 = arith.muli %scan3A_310, %mul3A_311 : i32
        %add3A_313 = arith.constant 0 : i32
        %add3A_314 = arith.addi %add3A_313, %mul3A_312 : i32
        %iota3A = tpu.iota {dimensions = array<i32: 0>} : vector<16xi32>
        %add3A_315 = arith.addi %mul3A_303, %add3A_314 : i32
        %add3A_316 = vector.broadcast %add3A_315 : i32 to vector<16xi32>
        %add3A_317 = arith.addi %iota3A, %add3A_316 : vector<16xi32>
        %swap3A = arith.index_cast %add3A_314 : i32 to index
        %swap3A_318 = tpu.vector_load %arg8[%swap3A] {strides = array<i32>} : memref<80xi32, #tpu.memory_space<vmem>>, vector<16xi32>,
        %swap3A_319 = vector.shape_cast %swap3A_318 : vector<16xi32> to vector<16xi32>
        %swap3A_320 = vector.shape_cast %add3A_317 : vector<16xi32> to vector<16xi32>
        tpu.vector_store %arg8[%swap3A], %swap3A_320 {strides = array<i32>} : memref<80xi32, #tpu.memory_space<vmem>>, vector<16xi32>,
      }
      %scan3A_308 = arith.constant 5 : i32
      %run_scoped3A = arith.constant 1 : i32
      "tpu.region"() ({
        %run_scoped3A_310 = tpu.sem_alloc : memref<!tpu.dma_semaphore, #tpu.memory_space<semaphore_mem>>
        %dma_start3A_311 = arith.constant 0 : i32
        %dma_start3A_312 = arith.constant 0 : i32
        %dma_start3A_313 = tpu.memref_slice %arg9[%run_scoped3A, %dma_start3A_311, %dma_start3A_312] : memref<2x80x128xf32, #tpu.memory_space<vmem>> -> memref<1x80x128xf32, #tpu.memory_space<vmem>>
        %dma_start3A_314 = tpu.memref_squeeze %dma_start3A_313 : memref<1x80x128xf32, #tpu.memory_space<vmem>> -> memref<80x128xf32, #tpu.memory_space<vmem>>
        %dma_start3A_315 = arith.constant 0 : i32
        %dma_start3A_316 = arith.constant 0 : i32
        %dma_start3A_317 = tpu.memref_slice %arg10[%dma_start3A_315, %dma_start3A_316] : memref<10000x128xf32, #tpu.memory_space<vmem_shared>> -> memref<10000x128xf32, #tpu.memory_space<vmem_shared>>
        tpu.enqueue_indirect_dma source(%dma_start3A_317 : memref<10000x128xf32, #tpu.memory_space<vmem_shared>>) target(%dma_start3A_314 : memref<80x128xf32, #tpu.memory_space<vmem>>) offsets(%arg8 : memref<80xi32, #tpu.memory_space<vmem>>) semaphore(%run_scoped3A_310 : memref<!tpu.dma_semaphore, #tpu.memory_space<semaphore_mem>>)
        %dma_wait3A_318 = arith.constant 0 : i32
        %dma_wait3A_319 = arith.constant 0 : i32
        %dma_wait3A_320 = tpu.memref_slice %arg9[%run_scoped3A, %dma_wait3A_318, %dma_wait3A_319] : memref<2x80x128xf32, #tpu.memory_space<vmem>> -> memref<1x80x128xf32, #tpu.memory_space<vmem>>
        %dma_wait3A_321 = tpu.memref_squeeze %dma_wait3A_320 : memref<1x80x128xf32, #tpu.memory_space<vmem>> -> memref<80x128xf32, #tpu.memory_space<vmem>>
        %dma_wait3A_322 = arith.constant 0 : i32
        %dma_wait3A_323 = arith.constant 0 : i32
        %dma_wait3A_324 = tpu.memref_slice %arg10[%dma_wait3A_322, %dma_wait3A_323] : memref<10000x128xf32, #tpu.memory_space<vmem_shared>> -> memref<10000x128xf32, #tpu.memory_space<vmem_shared>>
        tpu.wait_indirect_dma semaphore(%run_scoped3A_310 : memref<!tpu.dma_semaphore, #tpu.memory_space<semaphore_mem>>) src(%dma_wait3A_324 : memref<10000x128xf32, #tpu.memory_space<vmem_shared>>) dst(%dma_wait3A_321 : memref<80x128xf32, #tpu.memory_space<vmem>>)
        tpu.yield
      }) : () -> ()
      %run_scoped3A_309 = arith.constant 1 : i32
      "tpu.region"() ({
        %run_scoped3A_310 = tpu.sem_alloc : memref<!tpu.dma_semaphore, #tpu.memory_space<semaphore_mem>>
        %dma_start3A_311 = arith.constant 0 : i32
        %dma_start3A_312 = arith.constant 0 : i32
        %dma_start3A_313 = tpu.memref_slice %arg9[%run_scoped3A_309, %dma_start3A_311, %dma_start3A_312] : memref<2x80x128xf32, #tpu.memory_space<vmem>> -> memref<1x80x128xf32, #tpu.memory_space<vmem>>
        %dma_start3A_314 = tpu.memref_squeeze %dma_start3A_313 : memref<1x80x128xf32, #tpu.memory_space<vmem>> -> memref<80x128xf32, #tpu.memory_space<vmem>>
        %dma_start3A_315 = arith.constant 0 : i32
        %dma_start3A_316 = tpu.memref_slice %arg5[%arg0, %mul3A_303, %dma_start3A_315] : memref<2x10000x128xf32, #tpu.memory_space<hbm>> -> memref<1x80x128xf32, #tpu.memory_space<hbm>>
        %dma_start3A_317 = tpu.memref_squeeze %dma_start3A_316 : memref<1x80x128xf32, #tpu.memory_space<hbm>> -> memref<80x128xf32, #tpu.memory_space<hbm>>
        %dma_start3A_318 = arith.constant 0 : i32
        %dma_start3A_319 = tpu.memref_slice %arg5[%arg0, %mul3A_303, %dma_start3A_318] : memref<2x10000x128xf32, #tpu.memory_space<hbm>> -> memref<1x80x128xf32, #tpu.memory_space<hbm>>
        %dma_start3A_320 = tpu.memref_squeeze %dma_start3A_319 : memref<1x80x128xf32, #tpu.memory_space<hbm>> -> memref<80x128xf32, #tpu.memory_space<hbm>>
        %dma_start3A_321 = arith.constant 0 : i32
        %dma_start3A_322 = arith.constant 0 : i32
        %dma_start3A_323 = tpu.memref_slice %arg9[%run_scoped3A_309, %dma_start3A_321, %dma_start3A_322] : memref<2x80x128xf32, #tpu.memory_space<vmem>> -> memref<1x80x128xf32, #tpu.memory_space<vmem>>
        %dma_start3A_324 = tpu.memref_squeeze %dma_start3A_323 : memref<1x80x128xf32, #tpu.memory_space<vmem>> -> memref<80x128xf32, #tpu.memory_space<vmem>>
        tpu.enqueue_dma source(%dma_start3A_324 : memref<80x128xf32, #tpu.memory_space<vmem>>) target(%dma_start3A_320 : memref<80x128xf32, #tpu.memory_space<hbm>>) target_semaphore(%run_scoped3A_310 : memref<!tpu.dma_semaphore, #tpu.memory_space<semaphore_mem>>)
        %dma_wait3A_325 = arith.constant 0 : i32
        %dma_wait3A_326 = arith.constant 0 : i32
        %dma_wait3A_327 = tpu.memref_slice %arg9[%run_scoped3A_309, %dma_wait3A_325, %dma_wait3A_326] : memref<2x80x128xf32, #tpu.memory_space<vmem>> -> memref<1x80x128xf32, #tpu.memory_space<vmem>>
        %dma_wait3A_328 = tpu.memref_squeeze %dma_wait3A_327 : memref<1x80x128xf32, #tpu.memory_space<vmem>> -> memref<80x128xf32, #tpu.memory_space<vmem>>
        %dma_wait3A_329 = arith.constant 0 : i32
        %dma_wait3A_330 = tpu.memref_slice %arg5[%arg0, %mul3A_303, %dma_wait3A_329] : memref<2x10000x128xf32, #tpu.memory_space<hbm>> -> memref<1x80x128xf32, #tpu.memory_space<hbm>>
        %dma_wait3A_331 = tpu.memref_squeeze %dma_wait3A_330 : memref<1x80x128xf32, #tpu.memory_space<hbm>> -> memref<80x128xf32, #tpu.memory_space<hbm>>
        %dma_wait3A_332 = arith.constant 0 : i32
        %dma_wait3A_333 = tpu.memref_slice %arg5[%arg0, %mul3A_303, %dma_wait3A_332] : memref<2x10000x128xf32, #tpu.memory_space<hbm>> -> memref<1x80x128xf32, #tpu.memory_space<hbm>>
        %dma_wait3A_334 = tpu.memref_squeeze %dma_wait3A_333 : memref<1x80x128xf32, #tpu.memory_space<hbm>> -> memref<80x128xf32, #tpu.memory_space<hbm>>
        %dma_wait3A_335 = arith.constant 0 : i32
        %dma_wait3A_336 = arith.constant 0 : i32
        %dma_wait3A_337 = tpu.memref_slice %arg9[%run_scoped3A_309, %dma_wait3A_335, %dma_wait3A_336] : memref<2x80x128xf32, #tpu.memory_space<vmem>> -> memref<1x80x128xf32, #tpu.memory_space<vmem>>
        %dma_wait3A_338 = tpu.memref_squeeze %dma_wait3A_337 : memref<1x80x128xf32, #tpu.memory_space<vmem>> -> memref<80x128xf32, #tpu.memory_space<vmem>>
        tpu.wait_dma2 semaphore(%run_scoped3A_310 : memref<!tpu.dma_semaphore, #tpu.memory_space<semaphore_mem>>) src(%dma_wait3A_338 : memref<80x128xf32, #tpu.memory_space<vmem>>) dst(%dma_wait3A_334 : memref<80x128xf32, #tpu.memory_space<hbm>>)
        tpu.yield
      }) : () -> ()
    }
    return
  }
}

module attributes {stable_mosaic.version = 14 : i64} {
  func.func @_tc_body(%arg0: i32, %arg1: memref<2x2000x128xf32, #tpu.memory_space<vmem>>, %arg2: memref<2x2000x128xf32, #tpu.memory_space<vmem>>, %arg3: memref<2000x128xf32, #tpu.memory_space<vmem>>, %arg4: memref<128x128xf32, #tpu.memory_space<vmem>>, %arg5: memref<1x128xf32, #tpu.memory_space<vmem>>, %arg6: memref<128x128xf32, #tpu.memory_space<vmem>>, %arg7: memref<2000x128xf32, #tpu.memory_space<vmem>>) attributes {dimension_semantics = [#tpu.dimension_semantics<arbitrary>], iteration_bounds = array<i64: 5>, scalar_prefetch = 0 : i64, scratch_operands = 0 : i64, tpu.core_type = #tpu.core_type<tc>, window_params = [{transform_indices = @transform_0, window_bounds = array<i64: 2, 2000, 128>}, {transform_indices = @transform_1, window_bounds = array<i64: 2, 2000, 128>}, {transform_indices = @transform_2, window_bounds = array<i64: 2000, 128>}, {pipeline_mode = #tpu.pipeline_mode<synchronous>, transform_indices = @transform_3, window_bounds = array<i64: 128, 128>}, {pipeline_mode = #tpu.pipeline_mode<synchronous>, transform_indices = @transform_4, window_bounds = array<i64: 1, 128>}, {pipeline_mode = #tpu.pipeline_mode<synchronous>, transform_indices = @transform_5, window_bounds = array<i64: 128, 128>}, {transform_indices = @transform_6, window_bounds = array<i64: 2000, 128>}]} {
    %get3A = arith.constant 0 : index
    %get3A_0 = arith.constant 0 : index
    %get3A_1 = arith.constant 0 : index
    %get3A_2 = vector.load %arg1[%get3A, %get3A_0, %get3A_1] : memref<2x2000x128xf32, #tpu.memory_space<vmem>>, vector<1x2000x128xf32>
    %get3A_3 = vector.shape_cast %get3A_2 : vector<1x2000x128xf32> to vector<2000x128xf32>
    %get3A_4 = arith.constant 1 : index
    %get3A_5 = arith.constant 0 : index
    %get3A_6 = arith.constant 0 : index
    %get3A_7 = vector.load %arg1[%get3A_4, %get3A_5, %get3A_6] : memref<2x2000x128xf32, #tpu.memory_space<vmem>>, vector<1x2000x128xf32>
    %get3A_8 = vector.shape_cast %get3A_7 : vector<1x2000x128xf32> to vector<2000x128xf32>
    %add3A = arith.addf %get3A_3, %get3A_8 : vector<2000x128xf32>
    %get3A_9 = arith.constant 0 : index
    %get3A_10 = arith.constant 0 : index
    %get3A_11 = arith.constant 0 : index
    %get3A_12 = vector.load %arg2[%get3A_9, %get3A_10, %get3A_11] : memref<2x2000x128xf32, #tpu.memory_space<vmem>>, vector<1x2000x1xf32>
    %get3A_13 = vector.shape_cast %get3A_12 : vector<1x2000x1xf32> to vector<2000xf32>
    %get3A_14 = arith.constant 1 : index
    %get3A_15 = arith.constant 0 : index
    %get3A_16 = arith.constant 0 : index
    %get3A_17 = vector.load %arg2[%get3A_14, %get3A_15, %get3A_16] : memref<2x2000x128xf32, #tpu.memory_space<vmem>>, vector<1x2000x1xf32>
    %get3A_18 = vector.shape_cast %get3A_17 : vector<1x2000x1xf32> to vector<2000xf32>
    %add3A_19 = arith.addf %get3A_13, %get3A_18 : vector<2000xf32>
    %jit3A = arith.constant 1.000000e+00 : f32
    %max3A = vector.broadcast %jit3A : f32 to vector<2000xf32>
    %max3A_20 = arith.maximumf %max3A, %add3A_19 : vector<2000xf32>
    %broadcast_in_dim3A = vector.shape_cast %max3A_20 : vector<2000xf32> to vector<2000x1xf32>
    %div3A = vector.broadcast %broadcast_in_dim3A : vector<2000x1xf32> to vector<2000x128xf32>
    %div3A_21 = arith.divf %add3A, %div3A : vector<2000x128xf32>
    %get3A_22 = arith.constant 0 : index
    %get3A_23 = arith.constant 0 : index
    %get3A_24 = vector.load %arg4[%get3A_22, %get3A_23] : memref<128x128xf32, #tpu.memory_space<vmem>>, vector<128x128xf32>
    %dot_general3A = arith.constant dense<0.000000e+00> : vector<2000x128xf32>
    %dot_general3A_25 = tpu.matmul %div3A_21, %get3A_24, %dot_general3A {dimension_numbers = #tpu.dot_dimension_numbers<[1], [1], [0], [0], [0, 0, 1, 0], [], []>, transpose_lhs_hint = false} : vector<2000x128xf32>, vector<128x128xf32>, vector<2000x128xf32> -> vector<2000x128xf32>
    %get3A_26 = arith.constant 0 : index
    %get3A_27 = arith.constant 0 : index
    %get3A_28 = vector.load %arg5[%get3A_26, %get3A_27] : memref<1x128xf32, #tpu.memory_space<vmem>>, vector<1x128xf32>
    %add3A_29 = vector.broadcast %get3A_28 : vector<1x128xf32> to vector<2000x128xf32>
    %add3A_30 = arith.addf %dot_general3A_25, %add3A_29 : vector<2000x128xf32>
    %get3A_31 = arith.constant 0 : index
    %get3A_32 = arith.constant 0 : index
    %get3A_33 = vector.load %arg3[%get3A_31, %get3A_32] : memref<2000x128xf32, #tpu.memory_space<vmem>>, vector<2000x128xf32>
    %get3A_34 = arith.constant 0 : index
    %get3A_35 = arith.constant 0 : index
    %get3A_36 = vector.load %arg6[%get3A_34, %get3A_35] : memref<128x128xf32, #tpu.memory_space<vmem>>, vector<128x128xf32>
    %dot_general3A_37 = arith.constant dense<0.000000e+00> : vector<2000x128xf32>
    %dot_general3A_38 = tpu.matmul %get3A_33, %get3A_36, %dot_general3A_37 {dimension_numbers = #tpu.dot_dimension_numbers<[1], [1], [0], [0], [0, 0, 1, 0], [], []>, transpose_lhs_hint = false} : vector<2000x128xf32>, vector<128x128xf32>, vector<2000x128xf32> -> vector<2000x128xf32>
    %add3A_39 = arith.addf %add3A_30, %dot_general3A_38 : vector<2000x128xf32>
    %ge3A = arith.constant 0.000000e+00 : f32
    %ge3A_40 = vector.broadcast %ge3A : f32 to vector<2000x128xf32>
    %ge3A_41 = arith.cmpf oge, %add3A_39, %ge3A_40 : vector<2000x128xf32>
    %mul3A = arith.constant 0.00999999977 : f32
    %mul3A_42 = vector.broadcast %mul3A : f32 to vector<2000x128xf32>
    %mul3A_43 = arith.mulf %mul3A_42, %add3A_39 : vector<2000x128xf32>
    %select_n3A = arith.select %ge3A_41, %add3A_39, %mul3A_43 : vector<2000x128xi1>, vector<2000x128xf32>
    %swap3A = arith.constant 0 : index
    %swap3A_44 = arith.constant 0 : index
    %swap3A_45 = vector.load %arg7[%swap3A, %swap3A_44] : memref<2000x128xf32, #tpu.memory_space<vmem>>, vector<2000x128xf32>
    tpu.vector_store %arg7[%swap3A, %swap3A_44], %select_n3A {strides = array<i32>} : memref<2000x128xf32, #tpu.memory_space<vmem>>, vector<2000x128xf32>,
    return
  }
  func.func @transform_0(%arg0: i32) -> (i32, i32, i32) {
    %c0_i32 = arith.constant 0 : i32
    %c0_i32_0 = arith.constant 0 : i32
    %c0_i32_1 = arith.constant 0 : i32
    return %c0_i32, %arg0, %c0_i32_0 : i32, i32, i32
  }
  func.func @transform_1(%arg0: i32) -> (i32, i32, i32) {
    %c0_i32 = arith.constant 0 : i32
    %c0_i32_0 = arith.constant 0 : i32
    %c0_i32_1 = arith.constant 0 : i32
    return %c0_i32, %arg0, %c0_i32_0 : i32, i32, i32
  }
  func.func @transform_2(%arg0: i32) -> (i32, i32) {
    %c0_i32 = arith.constant 0 : i32
    %c0_i32_0 = arith.constant 0 : i32
    return %arg0, %c0_i32 : i32, i32
  }
  func.func @transform_3(%arg0: i32) -> (i32, i32) {
    %c0_i32 = arith.constant 0 : i32
    %c0_i32_0 = arith.constant 0 : i32
    %c0_i32_1 = arith.constant 0 : i32
    return %c0_i32, %c0_i32_0 : i32, i32
  }
  func.func @transform_4(%arg0: i32) -> (i32, i32) {
    %c0_i32 = arith.constant 0 : i32
    %c0_i32_0 = arith.constant 0 : i32
    %c0_i32_1 = arith.constant 0 : i32
    return %c0_i32, %c0_i32_0 : i32, i32
  }
  func.func @transform_5(%arg0: i32) -> (i32, i32) {
    %c0_i32 = arith.constant 0 : i32
    %c0_i32_0 = arith.constant 0 : i32
    %c0_i32_1 = arith.constant 0 : i32
    return %c0_i32, %c0_i32_0 : i32, i32
  }
  func.func @transform_6(%arg0: i32) -> (i32, i32) {
    %c0_i32 = arith.constant 0 : i32
    %c0_i32_0 = arith.constant 0 : i32
    return %arg0, %c0_i32 : i32, i32
  }
}

</mosaic_0001>

<sc_bundles>
// kernel: kernel.4.cloned.1.call-start
scs
__scs_entry_jumppad:
0x0: {  	(pc) =	sbr.rel $0x88, $3  }
0x1: {  	(tag) =	ssettag $0x0;
	lr =	simm.s32 $0x1  }
0x2: {  	[smem:$0x3F9C] =	sst lr;
	_ =	strace $0xD0000000  }
0x3: {  	_ = 	snop  }
0x4: {  	_ = 	snop  }
0x5: {  	_ = 	snop  }
0x6: {  	_ = 	snop  }
0x7: {  	_ = 	snop  }
__scs_overlays_trampoline_lowered:
0x8: {  	[smem:$0x3FAB] =	sst s0  }
0x9: {  	[smem:$0x3FAC] =	sst s1  }
0xa: {  	[smem:$0x3FAD] =	sst s2  }
0xb: {  	[smem:$0x3FAE] =	sst s3  }
0xc: {  	[smem:$0x3FAF] =	sst s4  }
0xd: {  	[smem:$0x3FB0] =	sst s5  }
0xe: {  	[smem:$0x3FB1] =	sst s6  }
0xf: {  	[smem:$0x3FB2] =	sst s7  }
0x10: {  	[smem:$0x3FB3] =	sst s8  }
0x11: {  	[smem:$0x3FB4] =	sst s9;
	s0 =	simm.s32 @!p0 $0x0  }
0x12: {  	s1 =	sld [smem:$0x3F9A];
	s0 =	simm.s32 @p0 $0x1  }
0x13: {  	[smem:$0x3FB5] =	sst s0;
	s0 =	simm.s32 @!p1 $0x0  }
0x14: {  	s2 =	sld [smem:$0x3F99];
	s0 =	simm.s32 @p1 $0x1  }
0x15: {  	[smem:$0x3FB6] =	sst s0;
	s0 =	simm.s32 @!p2 $0x0  }
0x16: {  	s3 =	sld [smem:$0x3FDB];
	s0 =	simm.s32 @p2 $0x1  }
0x17: {  	s4 =	simm.s32 $0x1BF5;
	[smem:$0x3FB8] =	sst s0  }
0x18: {  	s0 =	sld [smem:$0x3F9B];
	_ =	swait.ge [sflag:s4], $0x0  }
0x19: {  	s7 =	sld [smem:$0x3F9C]  }
0x1a: {  	s8 =	sadd.s32 $0xFFFFE003, lr  }
0x1b: {  	s9 =	sadd.s32 $0xFFFFFEF7, lr;
	s5 =	simm.s32 $0xFFFFFFFF;
	p2 =	slt.u32 s8, $0xFFFFF086  }
0x1c: {  	p1 =	slt.u32 s9, $0xF7A;
	s5 =	simm.s32 @!p2 $0x0  }
0x1d: {  	s5 =	simm.s32 @p1 $0x1;
	p0 =	seq.s32 s7, s2  }
0x1e: {  	s7 =	smul.u32 @!p0 $0xF7A, s2;
	p2 =	seq.s32 @!p0 s5, $0x0  }
0x1f: {  	s9 =	smul.u32 $0xF7A, s1;
	s8 =	simm.s32 @!p0 $0x1BF5;
	p2 =	por !p2, p0  }
0x20: {  	[sflag:s8] =	ssyncset.s32 @!p0 $0xFFFFF086;
	s6 =	sadd.s32 @!p0 s3, s7;
	s7 =	simm.s32 @!p0 $0x108  }
0x21: {  	s3 =	sadd.s32 s3, s9;
	s6 =	sadd.s32 @!p0 $0x88, s6;
	s7 =	simm.s32 @p2 $0x1082  }
0x22: {  	[simem:s7], [sflag:s8] =	dma.local @!p0 [hbm:s6], $0xF7A  }
0x23: {  	s9 =	sor.u32 $0xD0000000, s2;
	s6 =	simm.s32 $0x108;
	_ =	swait.ge @!p0 [sflag:s8], $0x0  }
0x24: {  	s3 =	sadd.s32 $0x88, s3;
	s6 =	simm.s32 @!p1 $0x1082;
	[sflag:s4] =	ssyncset.s32 $0xFFFFF086  }
0x25: {  	[simem:s6], [sflag:s4] =	dma.local [hbm:s3], $0xF7A  }
0x26: {  	[smem:$0x3F9C] =	sst s1;
	(tag) =	ssettag s2;
	_ =	strace s9  }
0x27: {  	s1 =	sld [smem:$0x3FAC]  }
0x28: {  	s2 =	sld [smem:$0x3FAD]  }
0x29: {  	s4 =	sld [smem:$0x3FAF]  }
0x2a: {  	p0 =	seq.s32 s5, $0x0;
	s5 =	sld [smem:$0x3FB0]  }
0x2b: {  	s6 =	sld [smem:$0x3FB1]  }
0x2c: {  	s7 =	sld [smem:$0x3FB2]  }
0x2d: {  	s3 =	simm.s32 $0x108;
	s8 =	sld [smem:$0x3FB3]  }
0x2e: {  	s3 =	simm.s32 @!p0 $0x1082;
	s9 =	sld [smem:$0x3FB4]  }
0x2f: {  	lr =	sadd.s32 s0, s3;
	s0 =	sld [smem:$0x3FAB]  }
0x30: {  	s3 =	sld [smem:$0x3FAE]  }
0x31: {  	[smem:$0x3FB7] =	sst s10  }
0x32: {  	s10 =	sld [smem:$0x3FB5];
	_ =	sdelay $0x3  }
0x33: {  	p0 =	seq.s32 s10, $0x1;
	s10 =	sld [smem:$0x3FB7];
	_ =	sdelay $0x3  }
0x34: {  	[smem:$0x3FB7] =	sst s10  }
0x35: {  	s10 =	sld [smem:$0x3FB6];
	_ =	sdelay $0x3  }
0x36: {  	p1 =	seq.s32 s10, $0x1;
	s10 =	sld [smem:$0x3FB7];
	_ =	sdelay $0x3  }
0x37: {  	[smem:$0x3FB7] =	sst s10  }
0x38: {  	s10 =	sld [smem:$0x3FB8]  }
0x39: {  	_ = 	snop;
	(pc) =	sbr.ind lr, $3  }
0x3a: {  	_ = 	snop  }
0x3b: {  	_ = 	snop  }
0x3c: {  	p2 =	seq.s32 s10, $0x1;
	s10 =	sld [smem:$0x3FB7]  }
0x3d: {  	_ =	shalt  }
0x3e: {  	_ =	shalt  }
0x3f: {  	_ =	shalt  }
0x40: {  	_ =	shalt  }
0x41: {  	_ =	shalt  }
0x42: {  	_ =	shalt  }
0x43: {  	_ =	shalt  }
0x44: {  	_ =	shalt  }
0x45: {  	_ =	shalt  }
0x46: {  	_ =	shalt  }
0x47: {  	_ =	shalt  }
0x48: {  	_ =	shalt  }
0x49: {  	_ =	shalt  }
0x4a: {  	_ =	shalt  }
0x4b: {  	_ =	shalt  }
0x4c: {  	_ =	shalt  }
0x4d: {  	_ =	shalt  }
0x4e: {  	_ =	shalt  }
0x4f: {  	_ =	shalt  }
0x50: {  	_ =	shalt  }
0x51: {  	_ =	shalt  }
0x52: {  	_ =	shalt  }
0x53: {  	_ =	shalt  }
0x54: {  	_ =	shalt  }
0x55: {  	_ =	shalt  }
0x56: {  	_ =	shalt  }
0x57: {  	_ =	shalt  }
0x58: {  	_ =	shalt  }
0x59: {  	_ =	shalt  }
0x5a: {  	_ =	shalt  }
0x5b: {  	_ =	shalt  }
0x5c: {  	_ =	shalt  }
0x5d: {  	_ =	shalt  }
0x5e: {  	_ =	shalt  }
0x5f: {  	_ =	shalt  }
0x60: {  	_ =	shalt  }
0x61: {  	_ =	shalt  }
0x62: {  	_ =	shalt  }
0x63: {  	_ =	shalt  }
0x64: {  	_ =	shalt  }
0x65: {  	_ =	shalt  }
0x66: {  	_ =	shalt  }
0x67: {  	_ =	shalt  }
0x68: {  	_ =	shalt  }
0x69: {  	_ =	shalt  }
0x6a: {  	_ =	shalt  }
0x6b: {  	_ =	shalt  }
0x6c: {  	_ =	shalt  }
0x6d: {  	_ =	shalt  }
0x6e: {  	_ =	shalt  }
0x6f: {  	_ =	shalt  }
0x70: {  	_ =	shalt  }
0x71: {  	_ =	shalt  }
0x72: {  	_ =	shalt  }
0x73: {  	_ =	shalt  }
0x74: {  	_ =	shalt  }
0x75: {  	_ =	shalt  }
0x76: {  	_ =	shalt  }
0x77: {  	_ =	shalt  }
0x78: {  	_ =	shalt  }
0x79: {  	_ =	shalt  }
0x7a: {  	_ =	shalt  }
0x7b: {  	_ =	shalt  }
0x7c: {  	_ =	shalt  }
0x7d: {  	_ =	shalt  }
0x7e: {  	_ =	shalt  }
0x7f: {  	_ =	shalt  }
0x80: {  	_ =	shalt  }
0x81: {  	_ =	shalt  }
0x82: {  	_ =	shalt  }
0x83: {  	_ =	shalt  }
0x84: {  	_ =	shalt  }
0x85: {  	_ =	shalt  }
0x86: {  	_ =	shalt  }
0x87: {  	_ =	shalt  }
.Lfunc_end0:
.L_simem_size_0:
called_computation_lowered:
.L_overlay_start_0:
0x88: {  	s2 =	sld [smem:$0x3FD9]  }
0x89: {  	s3 =	sld [smem:$0x3FFE];
	_ =	sdelay $0x1  }
0x8a: {  	s1 =	srdreg.scid  }
0x8b: {  	s0 =	sand.u32 $0x1, s1  }
0x8c: {  	s17 =	sshll.u32 s0, $0xA;
	s2 =	sadd.s32 s3, s2  }
0x8d: {  	s2 =	sadd.s32 s2, s17  }
0x8e: {  	[smem:$0x3FC3] =	sst s2  }
0x8f: {  	_ = 	snop  }
0x90: {  	s2 =	sld [smem:$0x3FC9]  }
0x91: {  	s18 =	sld [smem:$0x3FD0];
	(tm) =	ssettm $0x1  }
0x92: {  	s4 =	sld [smem:$0x3FFB];
	_ =	sdelay $0x3  }
0x93: {  	_ =	strace s4  }
0x94: {  	s4 =	sld [smem:$0x3FFC];
	_ =	sdelay $0x3  }
0x95: {  	_ =	strace s4  }
0x96: {  	s4 =	sld [smem:$0x3FFD];
	_ =	sdelay $0x3  }
0x97: {  	_ =	strace s4  }
0x98: {  	_ =	strace $0x8FFFFFFF  }
0x99: {  	s19 =	sld [smem:$0x3FDB];
	_ =	sdelay $0x1  }
0x9a: {  	s5 =	simm.s32 $_scs_section_size  }
0x9b: {  	s6 =	simm.s32 $_size__tile_overlayer_lowered;
	s7 =	simm.s32 $_tile_overlayer_lowered  }
0x9c: {  	s22 =	simm.s32 $0x1BFF;
	s21 =	sshll.u32 s7, $0x1;
	s4 =	sadd.s32 s5, s19  }
0x9d: {  	s8 =	simm.s32 $0x0;
	s20 =	sshll.u32 s6, $0x1;
	s6 =	sadd.s32 s21, s4  }
0x9e: {  	[timem:s8], [sflag:s22] =	dma.local [hbm:s6], s20  }
0x9f: {  	_ =	swait.ge [sflag:s22], s20  }
0xa0: {  	s5 =	ssub.s32 $0x0, s20;
	[sflag:s22] =	ssyncset.done $0x0  }
0xa1: {  	[sflag:s22] =	ssyncadd.s32 s5;
	_ =	sdelay $0x1  }
0xa2: {  	s23 =	simm.s32 $0x1B8B  }
0xa3: {  	_ =	swait.ge [sflag:s23], $0x1  }
0xa4: {  	[sflag:s23] =	ssyncset.done $0x0  }
0xa5: {  	s25 =	simm.s32 $0x1B8E;
	s24 =	sld [smem:$0x3FFE];
	[sflag:s23] =	ssyncadd.s32 $0xFFFFFFFF  }
0xa6: {  	s26 =	simm.s32 $execute0_lowered;
	[smem:$0x3FD2] =	sst s25  }
0xa7: {  	s6 =	sshll.u32 s26, $0x1;
	_ =	strace $0x80000046;
	[dreg:$0x1] =	wrdreg $0xFFFFFFFF  }
0xa8: {  	s28 =	simm.s32 $_size_execute0_lowered;
	s4 =	sadd.s32 s4, s6;
	[dreg:$0x0] =	wrdreg $0x0  }
0xa9: {  	s6 =	sshll.u32 s28, $0x1;
	[dreg:$0x2] =	wrdreg s4  }
0xaa: {  	[dreg:$0x3] =	wrdreg s6  }
0xab: {  	[dreg:$0x4] =	wrdreg $0xC0  }
0xac: {  	_ =	task [dreg:s8], $0x5FFFF  }
0xad: {  	[dreg:$0x1] =	wrdreg $0xFFFFFFFF  }
0xae: {  	[dreg:$0x0] =	wrdreg $0x60  }
0xaf: {  	[dreg:$0x2] =	wrdreg s18  }
0xb0: {  	[dreg:$0x3] =	wrdreg s2  }
0xb1: {  	[dreg:$0x4] =	wrdreg s24  }
0xb2: {  	[dreg:$0x5] =	wrdreg $0x55800  }
0xb3: {  	[dreg:$0x6] =	wrdreg $0x9  }
0xb4: {  	_ =	task.clear_ibuf [dreg:s8], $0x7FFFF;
	_ =	strace $0x90000046  }
0xb5: {  	s29 =	simm.s32 $0x9;
	_ =	strace $0x80000048  }
0xb6: {  	_ =	swait.ge [sflag:s29], $0x1  }
0xb7: {  	[sflag:s29] =	ssyncadd.s32 $0xFFFFFFFF  }
0xb8: {  	_ =	strace $0x90000048  }
0xb9: {  	_ =	sfence  }
0xba: {  	s30 =	sld [smem:$0x0];
	_ =	sdelay $0x2  }
0xbb: {  	s31 =	sshll.u32 s1, $0xD;
	s1 =	sshrl.u32 s1, $0x2  }
0xbc: {  	s3 =	sand.u32 $0x4000, s31;
	s1 =	sadd.s32 s1, s30  }
0xbd: {  	s0 =	sor.u32 s3, s0;
	s1 =	sshll.u32 s1, $0x11  }
0xbe: {  	s0 =	sor.u32 s1, s0  }
0xbf: {  	s0 =	sadd.s32 $0x8F2B, s0  }
0xc0: {  	[sflag:s0] =	ssyncadd.remote.s32 $0x1  }
0xc1: {  	_ =	sfence.sel $0xFFFF  }
0xc2: {  	[dreg:$0x0] =	wrdreg $0xFFFFFFFF;
	(pc) =	sbr.abs _section_cstart, $3  }
0xc3: {  	[dreg:$0x1] =	wrdreg $0xFFFFFFFF  }
0xc4: {  	_ =	task.clear_ibuf [dreg:s8], $0x2FFFF;
	_ =	strace $0x9FFFFFFF  }
0xc5: {  	(tm) =	ssettm $0x7FFFFFFF  }
tec
execute0_lowered:
.L_overlay_start_1:
0x0: {  	(tag) =	ssettag $0x1  }
0x1: {  	s0 =	rddreg [dreg:$0x0]  }
0x2: {  	s1 =	rddreg [dreg:$0x1];
	s2 =	srdreg.scid  }
0x3: {  	s5 =	rddreg [dreg:$0x2];
	s15 =	stileid.u32  }
0x4: {  	s3 =	rddreg [dreg:$0x3];
	s4 =	simm.s32 $0x0;
	s7 =	smul.u32 $0x2800, s15  }
0x5: {  	s28 =	simm.s32 $0x5;
	s29 =	simm.s32 $0x7;
	s12 =	smul.u32 $0x7D, s15  }
0x6: {  	s31 =	simm.s32 $0x2;
	s2 =	sand.u32 $0x1, s2;
	s23 =	smul.u32 $0x50, s15  }
0x7: {  	[smem:$0x7FF] =	sst s4;
	s11 =	ssub.s32 $0x8C, s15;
	s25 =	smul.u32 $0xFA0, s15  }
0x8: {  	s6 =	smul.u32 $0x138800, s2;
	s8 =	sshll.u32 s2, $0x4;
	_ =	strace $0x80000047  }
0x9: {  	s17 =	ssub.s32 $0x2, s2;
	s9 =	smul.u32 $0x7D0, s2;
	s18 =	sshrl.u32 s11, $0x4  }
0xa: {  	s2 =	smul.u32 $0xFA00, s2;
	s11 =	simm.s32 $0x80;
	[dreg:$0x5] =	wrdreg s18  }
0xb: {  	s8 =	sor.u32 s15, s8;
	s10 =	sshrl.u32 s17, $0x1;
	[dreg:$0xa] =	wrdreg s23  }
0xc: {  	s23 =	simm.s32 $0x100;
	s6 =	sadd.s32 s7, s6;
	s16 =	smul.u32 $0xFA0, s8  }
0xd: {  	s18 =	simm.s32 $0x480;
	s8 =	smul.u32 $0x7D00, s8;
	s6 =	sshrl.u32 s6, $0x3  }
0xe: {  	s20 =	sadd.s32 s12, s9;
	s9 =	simm.s32 $0x4;
	s5 =	sadd.s32 s6, s5  }
0xf: {  	s6 =	ssub.s32 s17, s10;
	s8 =	sshrl.u32 s8, $0x3;
	s7 =	sadd.s32 s0, s16  }
0x10: {  	[dreg:$0x6] =	wrdreg s7;
	s19 =	sadd.s32 s0, s8;
	s8 =	sshll.u32 s20, $0x5  }
0x11: {  	s6 =	smax.u32 s6, $0x1;
	s26 =	sadd.s32 $0x1000, s5;
	s30 =	sadd.s32 $0x4F200, s5  }
0x12: {  	s20 =	simm.s32 $0x500;
	s21 =	sadd.s32 $0x20, s19;
	[dreg:$0xb] =	wrdreg s6  }
0x13: {  	s22 =	sadd.s32 $0x40, s19;
	s7 =	sadd.s32 $0x60, s19;
	[dreg:$0xc] =	wrdreg s26  }
0x14: {  	s24 =	sadd.s32 s8, s0;
	s0 =	sadd.s32 s2, s0;
	[dreg:$0xd] =	wrdreg s30  }
0x15: {  	s19 =	simm.s32 $0x50;
	s26 =	simm.s32 $0x1;
	[dreg:$0x7] =	wrdreg s21  }
0x16: {  	s2 =	simm.s32 $0x2D80;
	s6 =	simm.s32 $0x0;
	[dreg:$0x8] =	wrdreg s22  }
0x17: {  	[dreg:$0x9] =	wrdreg s7;
	s12 =	sadd.s32 $0xA0, s24;
	s13 =	sadd.s32 $0x80, s24  }
0x18: {  	v0 =	vlaneseq.u32;
	s14 =	sadd.s32 $0x60, s24;
	s15 =	sadd.s32 $0x40, s24;
	s17 =	sadd.s32 s25, s0  }
0x19: {  	v1 =	vimm.f32 $0.0e+00;
	v6 =	vimm.f32 $1.000000000e+00;
	v2 =	vor.u32 $0x10, v0;
	s21 =	simm.s32 $0x580;
	s22 =	simm.s32 $0x8;
	s24 =	simm.s32 $0x200  }
0x1a: {  	v3 =	vor.u32 $0x20, v0;
	v4 =	vor.u32 $0x30, v0;
	v5 =	vor.u32 $0x40, v0;
	s25 =	simm.s32 $0x300;
	s0 =	simm.s32 $0x6;
	s7 =	simm.s32 $0x3  }
.LBB2_1:
0x1b: {  	s5 =	simm.s32 $0x70;
	s10 =	simm.s32 $0x3C0  }
.LBB2_2:
0x1c: {  	p0 =	sne.s32 s10, $0x9FC0;
	[tilespmem:s5+$0x580] =	vst v1  }
0x1d: {  	[tilespmem:s5+$0x510] =	vst v1  }
0x1e: {  	[tilespmem:s5+$0x520] =	vst v1  }
.Ltmp0:
0x1f: {  	[tilespmem:s5+$0x530] =	vst v1;
	(pc) =	sbr.rel @p0 .LBB2_2-.Ltmp0, $4  }
0x20: {  	[tilespmem:s5+$0x540] =	vst v1  }
0x21: {  	[tilespmem:s5+$0x550] =	vst v1  }
0x22: {  	[tilespmem:s5+$0x560] =	vst v1  }
0x23: {  	[tilespmem:s5+$0x570] =	vst v1;
	s5 =	sshra.s32 s10, $0x2;
	s10 =	sadd.s32 $0x200, s10  }
0x24: {  	[tilespmem:s5+$0x580] =	vst v1  }
0x25: {  	[tilespmem:s5+$0x510] =	vst v1  }
0x26: {  	[tilespmem:s5+$0x520] =	vst v1  }
0x27: {  	[tilespmem:s5+$0x530] =	vst v1  }
0x28: {  	[tilespmem:s5+$0x540] =	vst v1  }
0x29: {  	[tilespmem:s5+$0x550] =	vst v1  }
0x2a: {  	[tilespmem:s5+$0x560] =	vst v1  }
0x2b: {  	[dreg:$0xe] =	wrdreg s6;
	[tilespmem:s5+$0x570] =	vst v1;
	s5 =	simm.s32 $0x0;
	s10 =	simm.s32 $0x200  }
.LBB2_4:
0x2c: {  	p0 =	sne.s32 s10, $0x9E00;
	[tilespmem:s5+$0x2DF0] =	vst v1  }
0x2d: {  	[tilespmem:s5+$0x2D80] =	vst v1  }
0x2e: {  	[tilespmem:s5+$0x2D90] =	vst v1  }
.Ltmp1:
0x2f: {  	[tilespmem:s5+$0x2DA0] =	vst v1;
	(pc) =	sbr.rel @p0 .LBB2_4-.Ltmp1, $4  }
0x30: {  	[tilespmem:s5+$0x2DB0] =	vst v1  }
0x31: {  	[tilespmem:s5+$0x2DC0] =	vst v1  }
0x32: {  	[tilespmem:s5+$0x2DD0] =	vst v1  }
0x33: {  	[tilespmem:s5+$0x2DE0] =	vst v1;
	s5 =	sshra.s32 s10, $0x2;
	s10 =	sadd.s32 $0x200, s10  }
0x34: {  	[tilespmem:s5+$0x2DF0] =	vst v1  }
0x35: {  	[tilespmem:s5+$0x2D80] =	vst v1  }
0x36: {  	[tilespmem:s5+$0x2D90] =	vst v1  }
0x37: {  	[tilespmem:s5+$0x2DA0] =	vst v1  }
0x38: {  	[tilespmem:s5+$0x2DB0] =	vst v1  }
0x39: {  	[tilespmem:s5+$0x2DC0] =	vst v1;
	s6 =	rddreg [dreg:$0xa]  }
0x3a: {  	[tilespmem:s5+$0x2DD0] =	vst v1;
	s30 =	sadd.s32 $0x30, s6  }
0x3b: {  	[tilespmem:s5+$0x2DE0] =	vst v1;
	s10 =	sadd.s32 $0x40, s6;
	v8 =	vor.u32 s6, v0;
	v9 =	vor.u32 s30, v0;
	s30 =	rddreg [dreg:$0x5]  }
0x3c: {  	v7 =	vor.u32 s10, v0;
	[tilespmem:$0x500] =	vst v8;
	p0 =	sne.s32 s30, $0x1  }
.Ltmp2:
0x3d: {  	s8 =	sadd.s32 $0x10, s6;
	[tilespmem:$0x540] =	vst v7;
	(pc) =	sbr.rel @!p0 .LBB2_7-.Ltmp2, $4  }
0x3e: {  	s16 =	sadd.s32 $0x20, s6;
	v10 =	vor.u32 s8, v0;
	[tilespmem:$0x530] =	vst v9  }
0x3f: {  	v11 =	vor.u32 s16, v0;
	[tilespmem:$0x510] =	vst v10  }
0x40: {  	s10 =	smov.u32 s6;
	[tilespmem:$0x520] =	vst v11;
	s5 =	sadd.s32 $0xFFFFFFFF, s30  }
0x41: {  	[spmem:s3] =	stream.indirect.scatter [tilespmem:s21], [sflag:$0x8], $0x80, s20, s19, $0xb8;
	[tilespmem:$0x18E00] =	vst v63  }
.LBB2_6:
0x42: {  	p1 =	sne.s32 s5, $0x1;
	_ =	swait.ge [sflag:s22], $0x2800;
	s10 =	sadd.s32 $0x500, s10  }
0x43: {  	s5 =	sadd.s32 $0xFFFFFFFF, s5;
	s30 =	sadd.s32 $0x40, s10;
	[sflag:s22] =	ssyncset.done $0x0  }
0x44: {  	v12 =	vor.u32 s30, v0;
	[sflag:s22] =	ssyncadd.s32 $0xFFFFD800  }
0x45: {  	v13 =	vor.u32 s10, v0;
	s6 =	sadd.s32 $0x20, s10;
	s8 =	sadd.s32 $0x30, s10;
	s30 =	sadd.s32 $0x10, s10;
	[tilespmem:$0x540] =	vst v12  }
.Ltmp3:
0x46: {  	v14 =	vor.u32 s8, v0;
	v12 =	vor.u32 s30, v0;
	[tilespmem:$0x500] =	vst v13;
	v13 =	vor.u32 s6, v0;
	(pc) =	sbr.rel @p1 .LBB2_6-.Ltmp3, $4  }
0x47: {  	[tilespmem:$0x530] =	vst v14  }
0x48: {  	[tilespmem:$0x510] =	vst v12  }
0x49: {  	[tilespmem:$0x520] =	vst v13  }
0x4a: {  	[spmem:s3] =	stream.indirect.scatter [tilespmem:s21], [sflag:$0x8], $0x80, s20, s19, $0xb8;
	[tilespmem:$0x18E00] =	vst v63  }
.LBB2_7:
0x4b: {  	_ =	swait.ge [sflag:s22], $0x2800  }
0x4c: {  	[sflag:s22] =	ssyncset.done $0x0  }
0x4d: {  	[sflag:s22] =	ssyncadd.s32 $0xFFFFD800  }
0x4e: {  	[bflag:$0x0] =	sbarrier.arrive $0xFFFF  }
0x4f: {  	s5 =	simm.s32 $0x0;
	s6 =	rddreg [dreg:$0x6]  }
0x50: {  	[tilespmem:s5], [sflag:$0x1] =	stream.linear.gather [hbm4b:s6+s5], $0x100, $0x38;
	[tilespmem:$0x18E00] =	vst v63  }
0x51: {  	s8 =	rddreg [dreg:$0x7]  }
0x52: {  	[tilespmem:s23], [sflag:$0x2] =	stream.linear.gather [hbm4b:s8+s5], $0x100, $0x38;
	[tilespmem:$0x18E00] =	vst v63  }
0x53: {  	s10 =	rddreg [dreg:$0x8]  }
0x54: {  	[tilespmem:s24], [sflag:$0x3] =	stream.linear.gather [hbm4b:s10+s5], $0x100, $0x38;
	[tilespmem:$0x18E00] =	vst v63  }
0x55: {  	s16 =	rddreg [dreg:$0x9]  }
0x56: {  	[tilespmem:s25], [sflag:$0x4] =	stream.linear.gather [hbm4b:s16+s5], $0x100, $0x38;
	[tilespmem:$0x18E00] =	vst v63  }
0x57: {  	[tilespmem:$0x500] =	vst v0  }
0x58: {  	[tilespmem:$0x510] =	vst v2  }
0x59: {  	[tilespmem:$0x520] =	vst v3  }
0x5a: {  	[tilespmem:$0x530] =	vst v4  }
0x5b: {  	[tilespmem:$0x540] =	vst v5  }
0x5c: {  	[spmem:s3] =	stream.indirect.scatter.add.f32 [tilespmem:s21], [sflag:$0x7], $0x80, s20, s19, $0xb8;
	[tilespmem:$0x18E00] =	vst v63  }
0x5d: {  	_ =	swait.ge [sflag:s26], $0x100  }
0x5e: {  	[sflag:s26] =	ssyncset.done $0x0  }
0x5f: {  	[sflag:s26] =	ssyncadd.s32 $0xFFFFFF00  }
0x60: {  	[tilespmem:s21], [sflag:$0x5] =	stream.indirect.gather [hbm4b:s1+s19], $0x80, s4, s19, $0xb8;
	[tilespmem:$0x18E00] =	vst v63  }
0x61: {  	s6 =	sadd.s32 $0x0, s15  }
0x62: {  	[tilespmem:s24], [sflag:$0x3] =	stream.linear.gather [hbm4b:s6+s4], $0x100, $0x38;
	[tilespmem:$0x18E00] =	vst v63  }
0x63: {  	_ =	swait.ge [sflag:s28], $0x2800  }
0x64: {  	[sflag:s28] =	ssyncset.done $0x0  }
0x65: {  	[sflag:s28] =	ssyncadd.s32 $0xFFFFD800  }
0x66: {  	_ =	swait.ge [sflag:s29], $0x2800  }
0x67: {  	[sflag:s29] =	ssyncset.done $0x0  }
0x68: {  	[sflag:s29] =	ssyncadd.s32 $0xFFFFD800  }
0x69: {  	[spmem:s3] =	stream.indirect.scatter.add.f32 [tilespmem:s21], [sflag:$0x7], $0x80, s11, s19, $0xb8;
	[tilespmem:$0x18E00] =	vst v63  }
0x6a: {  	_ =	swait.ge [sflag:s31], $0x100  }
0x6b: {  	[sflag:s31] =	ssyncset.done $0x0  }
0x6c: {  	[sflag:s31] =	ssyncadd.s32 $0xFFFFFF00  }
0x6d: {  	[tilespmem:s2], [sflag:$0x6] =	stream.indirect.gather [hbm4b:s1+s19], $0x80, s23, s19, $0xb8;
	[tilespmem:$0x18E00] =	vst v63  }
0x6e: {  	s8 =	sadd.s32 $0x0, s14  }
0x6f: {  	[tilespmem:s25], [sflag:$0x4] =	stream.linear.gather [hbm4b:s8+s4], $0x100, $0x38;
	[tilespmem:$0x18E00] =	vst v63  }
0x70: {  	_ =	swait.ge [sflag:s0], $0x2800  }
0x71: {  	[sflag:s0] =	ssyncset.done $0x0  }
0x72: {  	[sflag:s0] =	ssyncadd.s32 $0xFFFFD800  }
0x73: {  	_ =	swait.ge [sflag:s29], $0x2800  }
0x74: {  	[sflag:s29] =	ssyncset.done $0x0  }
0x75: {  	s8 =	simm.s32 $0x180;
	[sflag:s29] =	ssyncadd.s32 $0xFFFFD800  }
0x76: {  	[spmem:s3] =	stream.indirect.scatter.add.f32 [tilespmem:s2], [sflag:$0x7], $0x80, s8, s19, $0xb8;
	[tilespmem:$0x18E00] =	vst v63  }
0x77: {  	_ =	swait.ge [sflag:s7], $0x100  }
0x78: {  	[sflag:s7] =	ssyncset.done $0x0  }
0x79: {  	[sflag:s7] =	ssyncadd.s32 $0xFFFFFF00  }
0x7a: {  	[tilespmem:s21], [sflag:$0x5] =	stream.indirect.gather [hbm4b:s1+s19], $0x80, s24, s19, $0xb8;
	[tilespmem:$0x18E00] =	vst v63  }
0x7b: {  	s10 =	sadd.s32 $0x0, s13  }
0x7c: {  	[tilespmem:s4], [sflag:$0x1] =	stream.linear.gather [hbm4b:s10+s4], $0x100, $0x38;
	[tilespmem:$0x18E00] =	vst v63  }
0x7d: {  	_ =	swait.ge [sflag:s28], $0x2800  }
0x7e: {  	[sflag:s28] =	ssyncset.done $0x0  }
0x7f: {  	[sflag:s28] =	ssyncadd.s32 $0xFFFFD800  }
0x80: {  	_ =	swait.ge [sflag:s29], $0x2800  }
0x81: {  	[sflag:s29] =	ssyncset.done $0x0  }
0x82: {  	s30 =	simm.s32 $0x280;
	[sflag:s29] =	ssyncadd.s32 $0xFFFFD800  }
0x83: {  	[spmem:s3] =	stream.indirect.scatter.add.f32 [tilespmem:s21], [sflag:$0x7], $0x80, s30, s19, $0xb8;
	[tilespmem:$0x18E00] =	vst v63  }
0x84: {  	_ =	swait.ge [sflag:s9], $0x100  }
0x85: {  	[sflag:s9] =	ssyncset.done $0x0  }
0x86: {  	[sflag:s9] =	ssyncadd.s32 $0xFFFFFF00  }
0x87: {  	[tilespmem:s2], [sflag:$0x6] =	stream.indirect.gather [hbm4b:s1+s19], $0x80, s25, s19, $0xb8;
	[tilespmem:$0x18E00] =	vst v63  }
0x88: {  	s16 =	sadd.s32 $0x0, s12  }
0x89: {  	[tilespmem:s23], [sflag:$0x2] =	stream.linear.gather [hbm4b:s16+s4], $0x100, $0x38;
	[tilespmem:$0x18E00] =	vst v63  }
0x8a: {  	_ =	swait.ge [sflag:s0], $0x2800  }
0x8b: {  	[sflag:s0] =	ssyncset.done $0x0  }
0x8c: {  	[sflag:s0] =	ssyncadd.s32 $0xFFFFD800  }
0x8d: {  	_ =	swait.ge [sflag:s29], $0x2800  }
0x8e: {  	[sflag:s29] =	ssyncset.done $0x0  }
0x8f: {  	s5 =	simm.s32 $0x80;
	s16 =	simm.s32 $0x380;
	[sflag:s29] =	ssyncadd.s32 $0xFFFFD800  }
.LBB2_8:
0x90: {  	[spmem:s3] =	stream.indirect.scatter.add.f32 [tilespmem:s2], [sflag:$0x7], $0x80, s16, s19, $0xb8;
	[tilespmem:$0x18E00] =	vst v63  }
0x91: {  	s10 =	smov.u32 s5  }
0x92: {  	p1 =	sne.s32 s5, $0xF00;
	s5 =	sadd.s32 $0x80, s5;
	_ =	swait.ge [sflag:s26], $0x100  }
0x93: {  	[sflag:s26] =	ssyncset.done $0x0  }
0x94: {  	[sflag:s26] =	ssyncadd.s32 $0xFFFFFF00  }
0x95: {  	[tilespmem:s21], [sflag:$0x5] =	stream.indirect.gather [hbm4b:s1+s19], $0x80, s4, s19, $0xb8;
	[tilespmem:$0x18E00] =	vst v63  }
0x96: {  	s6 =	sadd.s32 s10, s15  }
0x97: {  	[tilespmem:s24], [sflag:$0x3] =	stream.linear.gather [hbm4b:s6+s4], $0x100, $0x38;
	[tilespmem:$0x18E00] =	vst v63  }
0x98: {  	_ =	swait.ge [sflag:s28], $0x2800  }
0x99: {  	[sflag:s28] =	ssyncset.done $0x0  }
0x9a: {  	[sflag:s28] =	ssyncadd.s32 $0xFFFFD800  }
0x9b: {  	_ =	swait.ge [sflag:s29], $0x2800  }
0x9c: {  	[sflag:s29] =	ssyncset.done $0x0  }
0x9d: {  	[sflag:s29] =	ssyncadd.s32 $0xFFFFD800  }
0x9e: {  	[spmem:s3] =	stream.indirect.scatter.add.f32 [tilespmem:s21], [sflag:$0x7], $0x80, s11, s19, $0xb8;
	[tilespmem:$0x18E00] =	vst v63  }
0x9f: {  	_ =	swait.ge [sflag:s31], $0x100  }
0xa0: {  	[sflag:s31] =	ssyncset.done $0x0  }
0xa1: {  	[sflag:s31] =	ssyncadd.s32 $0xFFFFFF00  }
0xa2: {  	[tilespmem:s2], [sflag:$0x6] =	stream.indirect.gather [hbm4b:s1+s19], $0x80, s23, s19, $0xb8;
	[tilespmem:$0x18E00] =	vst v63  }
0xa3: {  	s6 =	sadd.s32 s10, s14  }
0xa4: {  	[tilespmem:s25], [sflag:$0x4] =	stream.linear.gather [hbm4b:s6+s4], $0x100, $0x38;
	[tilespmem:$0x18E00] =	vst v63  }
0xa5: {  	_ =	swait.ge [sflag:s0], $0x2800  }
0xa6: {  	[sflag:s0] =	ssyncset.done $0x0  }
0xa7: {  	[sflag:s0] =	ssyncadd.s32 $0xFFFFD800  }
0xa8: {  	_ =	swait.ge [sflag:s29], $0x2800  }
0xa9: {  	[sflag:s29] =	ssyncset.done $0x0  }
0xaa: {  	[sflag:s29] =	ssyncadd.s32 $0xFFFFD800  }
0xab: {  	[spmem:s3] =	stream.indirect.scatter.add.f32 [tilespmem:s2], [sflag:$0x7], $0x80, s8, s19, $0xb8;
	[tilespmem:$0x18E00] =	vst v63  }
0xac: {  	_ =	swait.ge [sflag:s7], $0x100  }
0xad: {  	[sflag:s7] =	ssyncset.done $0x0  }
0xae: {  	[sflag:s7] =	ssyncadd.s32 $0xFFFFFF00  }
0xaf: {  	[tilespmem:s21], [sflag:$0x5] =	stream.indirect.gather [hbm4b:s1+s19], $0x80, s24, s19, $0xb8;
	[tilespmem:$0x18E00] =	vst v63  }
0xb0: {  	s6 =	sadd.s32 s10, s13  }
0xb1: {  	[tilespmem:s4], [sflag:$0x1] =	stream.linear.gather [hbm4b:s6+s4], $0x100, $0x38;
	[tilespmem:$0x18E00] =	vst v63  }
0xb2: {  	_ =	swait.ge [sflag:s28], $0x2800  }
0xb3: {  	[sflag:s28] =	ssyncset.done $0x0  }
0xb4: {  	[sflag:s28] =	ssyncadd.s32 $0xFFFFD800  }
0xb5: {  	_ =	swait.ge [sflag:s29], $0x2800  }
0xb6: {  	[sflag:s29] =	ssyncset.done $0x0  }
0xb7: {  	[sflag:s29] =	ssyncadd.s32 $0xFFFFD800  }
0xb8: {  	[spmem:s3] =	stream.indirect.scatter.add.f32 [tilespmem:s21], [sflag:$0x7], $0x80, s30, s19, $0xb8;
	[tilespmem:$0x18E00] =	vst v63  }
0xb9: {  	_ =	swait.ge [sflag:s9], $0x100  }
0xba: {  	[sflag:s9] =	ssyncset.done $0x0  }
0xbb: {  	[sflag:s9] =	ssyncadd.s32 $0xFFFFFF00  }
0xbc: {  	[tilespmem:s2], [sflag:$0x6] =	stream.indirect.gather [hbm4b:s1+s19], $0x80, s25, s19, $0xb8;
	[tilespmem:$0x18E00] =	vst v63  }
0xbd: {  	s6 =	sadd.s32 s10, s12  }
0xbe: {  	[tilespmem:s23], [sflag:$0x2] =	stream.linear.gather [hbm4b:s6+s4], $0x100, $0x38;
	[tilespmem:$0x18E00] =	vst v63  }
0xbf: {  	_ =	swait.ge [sflag:s0], $0x2800  }
.Ltmp4:
0xc0: {  	[sflag:s0] =	ssyncset.done $0x0;
	(pc) =	sbr.rel @p1 .LBB2_8-.Ltmp4, $4  }
0xc1: {  	[sflag:s0] =	ssyncadd.s32 $0xFFFFD800  }
0xc2: {  	_ =	swait.ge [sflag:s29], $0x2800  }
0xc3: {  	[sflag:s29] =	ssyncset.done $0x0  }
0xc4: {  	[sflag:s29] =	ssyncadd.s32 $0xFFFFD800  }
0xc5: {  	[spmem:s3] =	stream.indirect.scatter.add.f32 [tilespmem:s2], [sflag:$0x7], $0x80, s16, s19, $0xb8;
	[tilespmem:$0x18E00] =	vst v63  }
0xc6: {  	_ =	swait.ge [sflag:s26], $0x100  }
0xc7: {  	[sflag:s26] =	ssyncset.done $0x0  }
0xc8: {  	[sflag:s26] =	ssyncadd.s32 $0xFFFFFF00  }
0xc9: {  	[tilespmem:s21], [sflag:$0x5] =	stream.indirect.gather [hbm4b:s1+s19], $0x80, s4, s19, $0xb8;
	[tilespmem:$0x18E00] =	vst v63  }
0xca: {  	_ =	swait.ge [sflag:s28], $0x2800  }
0xcb: {  	[sflag:s28] =	ssyncset.done $0x0  }
0xcc: {  	[sflag:s28] =	ssyncadd.s32 $0xFFFFD800  }
0xcd: {  	_ =	swait.ge [sflag:s29], $0x2800  }
0xce: {  	[sflag:s29] =	ssyncset.done $0x0  }
0xcf: {  	[sflag:s29] =	ssyncadd.s32 $0xFFFFD800  }
0xd0: {  	[spmem:s3] =	stream.indirect.scatter.add.f32 [tilespmem:s21], [sflag:$0x7], $0x80, s11, s19, $0xb8;
	[tilespmem:$0x18E00] =	vst v63  }
0xd1: {  	_ =	swait.ge [sflag:s29], $0x2800  }
0xd2: {  	[sflag:s29] =	ssyncset.done $0x0  }
0xd3: {  	[sflag:s29] =	ssyncadd.s32 $0xFFFFD800  }
0xd4: {  	_ =	swait.ge [sflag:s7], $0x100  }
0xd5: {  	[sflag:s7] =	ssyncset.done $0x0  }
0xd6: {  	[sflag:s7] =	ssyncadd.s32 $0xFFFFFF00  }
0xd7: {  	[bflag:$0x0] =	sbarrier.arrive $0xFFFF  }
0xd8: {  	[tilespmem:$0x540] =	vst v7  }
0xd9: {  	[tilespmem:$0x500] =	vst v8  }
0xda: {  	[tilespmem:$0x530] =	vst v9  }
0xdb: {  	[tilespmem:$0x510] =	vst v10  }
0xdc: {  	[tilespmem:$0x520] =	vst v11  }
0xdd: {  	[tilespmem:s2], [sflag:$0x8] =	stream.indirect.gather [spmem:s3], $0x80, s20, s19, $0xb8;
	[tilespmem:$0x18E00] =	vst v63  }
.Ltmp5:
0xde: {  	_ =	swait.ge [sflag:s22], $0x2800;
	(pc) =	sbr.rel @!p0 .LBB2_11-.Ltmp5, $4  }
0xdf: {  	s30 =	rddreg [dreg:$0xc]  }
0xe0: {  	[sflag:s22] =	ssyncset.done $0x0;
	s5 =	rddreg [dreg:$0x5]  }
0xe1: {  	s10 =	rddreg [dreg:$0xa];
	[sflag:s22] =	ssyncadd.s32 $0xFFFFD800;
	s5 =	sadd.s32 $0xFFFFFFFF, s5  }
0xe2: {  	[hbm4b:s30+s4] =	stream.linear.scatter [tilespmem:s2], [sflag:$0x8], $0x2800, $0x38;
	[tilespmem:$0x18E00] =	vst v63  }
.LBB2_10:
0xe3: {  	_ =	swait.ge [sflag:s22], $0x2800;
	s10 =	sadd.s32 $0x500, s10;
	s30 =	sadd.s32 $0x5000, s30  }
0xe4: {  	p1 =	sne.s32 s5, $0x1;
	s6 =	sadd.s32 $0x40, s10;
	[sflag:s22] =	ssyncset.done $0x0  }
0xe5: {  	s5 =	sadd.s32 $0xFFFFFFFF, s5;
	v12 =	vor.u32 s6, v0;
	[sflag:s22] =	ssyncadd.s32 $0xFFFFD800  }
0xe6: {  	v13 =	vor.u32 s10, v0;
	s8 =	sadd.s32 $0x20, s10;
	s11 =	sadd.s32 $0x30, s10;
	s6 =	sadd.s32 $0x10, s10;
	[tilespmem:$0x540] =	vst v12  }
0xe7: {  	v14 =	vor.u32 s11, v0;
	v12 =	vor.u32 s6, v0;
	[tilespmem:$0x500] =	vst v13;
	v13 =	vor.u32 s8, v0  }
0xe8: {  	[tilespmem:$0x530] =	vst v14  }
0xe9: {  	[tilespmem:$0x510] =	vst v12  }
0xea: {  	[tilespmem:$0x520] =	vst v13  }
0xeb: {  	[tilespmem:s2], [sflag:$0x8] =	stream.indirect.gather [spmem:s3], $0x80, s20, s19, $0xb8;
	[tilespmem:$0x18E00] =	vst v63  }
.Ltmp6:
0xec: {  	_ = 	snop;
	(pc) =	sbr.rel @p1 .LBB2_10-.Ltmp6, $4  }
0xed: {  	_ =	swait.ge [sflag:s22], $0x2800  }
0xee: {  	[sflag:s22] =	ssyncset.done $0x0  }
0xef: {  	[sflag:s22] =	ssyncadd.s32 $0xFFFFD800  }
0xf0: {  	[hbm4b:s30+s4] =	stream.linear.scatter [tilespmem:s2], [sflag:$0x8], $0x2800, $0x38;
	[tilespmem:$0x18E00] =	vst v63  }
.LBB2_11:
0xf1: {  	_ =	swait.ge [sflag:s22], $0x2800  }
0xf2: {  	[sflag:s22] =	ssyncset.done $0x0  }
0xf3: {  	s5 =	simm.s32 $0x70;
	[sflag:s22] =	ssyncadd.s32 $0xFFFFD800  }
0xf4: {  	s10 =	simm.s32 $0x3C0;
	s16 =	simm.s32 $0x400;
	[bflag:$0x0] =	sbarrier.arrive $0xFFFF  }
.LBB2_12:
0xf5: {  	p1 =	sne.s32 s10, $0x9FC0;
	[tilespmem:s5+$0x580] =	vst v6  }
0xf6: {  	[tilespmem:s5+$0x510] =	vst v6  }
0xf7: {  	[tilespmem:s5+$0x520] =	vst v6  }
.Ltmp7:
0xf8: {  	[tilespmem:s5+$0x530] =	vst v6;
	(pc) =	sbr.rel @p1 .LBB2_12-.Ltmp7, $4  }
0xf9: {  	[tilespmem:s5+$0x540] =	vst v6  }
0xfa: {  	[tilespmem:s5+$0x550] =	vst v6  }
0xfb: {  	[tilespmem:s5+$0x560] =	vst v6  }
0xfc: {  	[tilespmem:s5+$0x570] =	vst v6;
	s5 =	sshra.s32 s10, $0x2;
	s10 =	sadd.s32 $0x200, s10  }
0xfd: {  	[tilespmem:s5+$0x580] =	vst v6  }
0xfe: {  	[tilespmem:s5+$0x510] =	vst v6  }
0xff: {  	[tilespmem:s5+$0x520] =	vst v6  }
0x100: {  	[tilespmem:s5+$0x530] =	vst v6  }
0x101: {  	[tilespmem:s5+$0x540] =	vst v6  }
0x102: {  	[tilespmem:s5+$0x550] =	vst v6  }
0x103: {  	[tilespmem:s5+$0x560] =	vst v6  }
0x104: {  	[tilespmem:s5+$0x570] =	vst v6;
	s5 =	simm.s32 $0x0;
	s10 =	simm.s32 $0x200  }
.LBB2_14:
0x105: {  	p1 =	sne.s32 s10, $0x9E00;
	[tilespmem:s5+$0x2DF0] =	vst v1  }
0x106: {  	[tilespmem:s5+$0x2D80] =	vst v1  }
0x107: {  	[tilespmem:s5+$0x2D90] =	vst v1  }
.Ltmp8:
0x108: {  	[tilespmem:s5+$0x2DA0] =	vst v1;
	(pc) =	sbr.rel @p1 .LBB2_14-.Ltmp8, $4  }
0x109: {  	[tilespmem:s5+$0x2DB0] =	vst v1  }
0x10a: {  	[tilespmem:s5+$0x2DC0] =	vst v1  }
0x10b: {  	[tilespmem:s5+$0x2DD0] =	vst v1  }
0x10c: {  	[tilespmem:s5+$0x2DE0] =	vst v1;
	s5 =	sshra.s32 s10, $0x2;
	s10 =	sadd.s32 $0x200, s10  }
0x10d: {  	[tilespmem:s5+$0x2DF0] =	vst v1  }
0x10e: {  	[tilespmem:s5+$0x2D80] =	vst v1  }
0x10f: {  	[tilespmem:s5+$0x2D90] =	vst v1  }
0x110: {  	[tilespmem:s5+$0x2DA0] =	vst v1  }
0x111: {  	[tilespmem:s5+$0x2DB0] =	vst v1  }
0x112: {  	[tilespmem:s5+$0x2DC0] =	vst v1  }
0x113: {  	[tilespmem:s5+$0x2DD0] =	vst v1  }
0x114: {  	[tilespmem:s5+$0x2DE0] =	vst v1  }
0x115: {  	[tilespmem:$0x540] =	vst v7  }
.Ltmp9:
0x116: {  	[tilespmem:$0x500] =	vst v8;
	(pc) =	sbr.rel @!p0 .LBB2_17-.Ltmp9, $4  }
0x117: {  	[tilespmem:$0x530] =	vst v9  }
0x118: {  	s30 =	rddreg [dreg:$0x5];
	[tilespmem:$0x510] =	vst v10  }
0x119: {  	s10 =	rddreg [dreg:$0xa];
	[tilespmem:$0x520] =	vst v11;
	s5 =	sadd.s32 $0xFFFFFFFF, s30  }
0x11a: {  	[spmem:s3] =	stream.indirect.scatter [tilespmem:s2], [sflag:$0x8], $0x80, s20, s19, $0xb8;
	[tilespmem:$0x18E00] =	vst v63  }
.LBB2_16:
0x11b: {  	p1 =	sne.s32 s5, $0x1;
	_ =	swait.ge [sflag:s22], $0x2800;
	s10 =	sadd.s32 $0x500, s10  }
0x11c: {  	s5 =	sadd.s32 $0xFFFFFFFF, s5;
	s6 =	sadd.s32 $0x40, s10;
	[sflag:s22] =	ssyncset.done $0x0  }
0x11d: {  	v12 =	vor.u32 s6, v0;
	[sflag:s22] =	ssyncadd.s32 $0xFFFFD800  }
0x11e: {  	v13 =	vor.u32 s10, v0;
	s8 =	sadd.s32 $0x20, s10;
	s11 =	sadd.s32 $0x30, s10;
	s6 =	sadd.s32 $0x10, s10;
	[tilespmem:$0x540] =	vst v12  }
.Ltmp10:
0x11f: {  	v14 =	vor.u32 s11, v0;
	v12 =	vor.u32 s6, v0;
	[tilespmem:$0x500] =	vst v13;
	v13 =	vor.u32 s8, v0;
	(pc) =	sbr.rel @p1 .LBB2_16-.Ltmp10, $4  }
0x120: {  	[tilespmem:$0x530] =	vst v14  }
0x121: {  	[tilespmem:$0x510] =	vst v12  }
0x122: {  	[tilespmem:$0x520] =	vst v13  }
0x123: {  	[spmem:s3] =	stream.indirect.scatter [tilespmem:s2], [sflag:$0x8], $0x80, s20, s19, $0xb8;
	[tilespmem:$0x18E00] =	vst v63  }
.LBB2_17:
0x124: {  	_ =	swait.ge [sflag:s22], $0x2800  }
0x125: {  	[sflag:s22] =	ssyncset.done $0x0  }
0x126: {  	[sflag:s22] =	ssyncadd.s32 $0xFFFFD800  }
0x127: {  	s5 =	sadd.s32 $0x0, s17;
	[bflag:$0x0] =	sbarrier.arrive $0xFFFF  }
0x128: {  	[tilespmem:s16], [sflag:$0x8] =	stream.linear.gather [hbm4b:s5+s4], $0x100, $0x38;
	[tilespmem:$0x18E00] =	vst v63  }
0x129: {  	_ =	swait.ge [sflag:s22], $0x100  }
0x12a: {  	[sflag:s22] =	ssyncset.done $0x0  }
0x12b: {  	[sflag:s22] =	ssyncadd.s32 $0xFFFFFF00  }
0x12c: {  	[spmem:s3] =	stream.indirect.scatter.add.f32 [tilespmem:s21], [sflag:$0x8], $0x80, s18, s19, $0xb8;
	[tilespmem:$0x18E00] =	vst v63  }
0x12d: {  	_ =	swait.ge [sflag:s22], $0x2800  }
0x12e: {  	s10 =	simm.s32 $0x40;
	s5 =	simm.s32 $0x20;
	[sflag:s22] =	ssyncset.done $0x0  }
.LBB2_18:
0x12f: {  	s6 =	sadd.s32 s5, s17  }
0x130: {  	[sflag:s22] =	ssyncadd.s32 $0xFFFFD800;
	s5 =	smov.u32 s10;
	s8 =	sadd.s32 $0x20, s10  }
0x131: {  	[tilespmem:s16], [sflag:$0x8] =	stream.linear.gather [hbm4b:s6+s4], $0x100, $0x38;
	[tilespmem:$0x18E00] =	vst v63  }
0x132: {  	p1 =	sne.s32 s10, $0xF80;
	_ =	swait.ge [sflag:s22], $0x100  }
.Ltmp11:
0x133: {  	[sflag:s22] =	ssyncset.done $0x0;
	(pc) =	sbr.rel @p1 .LBB2_18-.Ltmp11, $4  }
0x134: {  	[sflag:s22] =	ssyncadd.s32 $0xFFFFFF00  }
0x135: {  	[spmem:s3] =	stream.indirect.scatter.add.f32 [tilespmem:s21], [sflag:$0x8], $0x80, s18, s19, $0xb8;
	[tilespmem:$0x18E00] =	vst v63  }
0x136: {  	_ =	swait.ge [sflag:s22], $0x2800  }
0x137: {  	s10 =	smov.u32 s8;
	[sflag:s22] =	ssyncset.done $0x0  }
0x138: {  	s5 =	sadd.s32 s5, s17;
	[sflag:s22] =	ssyncadd.s32 $0xFFFFD800  }
0x139: {  	[tilespmem:s16], [sflag:$0x8] =	stream.linear.gather [hbm4b:s5+s4], $0x100, $0x38;
	[tilespmem:$0x18E00] =	vst v63  }
0x13a: {  	_ =	swait.ge [sflag:s22], $0x100  }
0x13b: {  	[sflag:s22] =	ssyncset.done $0x0  }
0x13c: {  	[sflag:s22] =	ssyncadd.s32 $0xFFFFFF00  }
0x13d: {  	[spmem:s3] =	stream.indirect.scatter.add.f32 [tilespmem:s21], [sflag:$0x8], $0x80, s18, s19, $0xb8;
	[tilespmem:$0x18E00] =	vst v63  }
0x13e: {  	_ =	swait.ge [sflag:s22], $0x2800  }
0x13f: {  	[sflag:s22] =	ssyncset.done $0x0  }
0x140: {  	[sflag:s22] =	ssyncadd.s32 $0xFFFFD800  }
0x141: {  	[bflag:$0x0] =	sbarrier.arrive $0xFFFF  }
0x142: {  	[tilespmem:$0x540] =	vst v7  }
0x143: {  	[tilespmem:$0x500] =	vst v8  }
0x144: {  	[tilespmem:$0x530] =	vst v9  }
0x145: {  	[tilespmem:$0x510] =	vst v10  }
0x146: {  	[tilespmem:$0x520] =	vst v11  }
0x147: {  	[tilespmem:s2], [sflag:$0x8] =	stream.indirect.gather [spmem:s3], $0x80, s20, s19, $0xb8;
	[tilespmem:$0x18E00] =	vst v63  }
.Ltmp12:
0x148: {  	_ =	swait.ge [sflag:s22], $0x2800;
	(pc) =	sbr.rel @!p0 .LBB2_21-.Ltmp12, $4  }
0x149: {  	s30 =	rddreg [dreg:$0xd]  }
0x14a: {  	[sflag:s22] =	ssyncset.done $0x0;
	s16 =	rddreg [dreg:$0x5]  }
0x14b: {  	s10 =	rddreg [dreg:$0xa];
	[sflag:s22] =	ssyncadd.s32 $0xFFFFD800;
	s5 =	sadd.s32 $0xFFFFFFFF, s16  }
0x14c: {  	[hbm4b:s30+s4] =	stream.linear.scatter [tilespmem:s2], [sflag:$0x8], $0x2800, $0x38;
	[tilespmem:$0x18E00] =	vst v63  }
.LBB2_20:
0x14d: {  	_ =	swait.ge [sflag:s22], $0x2800;
	s10 =	sadd.s32 $0x500, s10;
	s30 =	sadd.s32 $0x5000, s30  }
0x14e: {  	p0 =	sne.s32 s5, $0x1;
	s6 =	sadd.s32 $0x40, s10;
	[sflag:s22] =	ssyncset.done $0x0  }
0x14f: {  	s5 =	sadd.s32 $0xFFFFFFFF, s5;
	v7 =	vor.u32 s6, v0;
	[sflag:s22] =	ssyncadd.s32 $0xFFFFD800  }
0x150: {  	v8 =	vor.u32 s10, v0;
	s8 =	sadd.s32 $0x20, s10;
	s11 =	sadd.s32 $0x30, s10;
	s6 =	sadd.s32 $0x10, s10;
	[tilespmem:$0x540] =	vst v7  }
0x151: {  	v9 =	vor.u32 s11, v0;
	v7 =	vor.u32 s6, v0;
	[tilespmem:$0x500] =	vst v8;
	v8 =	vor.u32 s8, v0  }
0x152: {  	[tilespmem:$0x530] =	vst v9  }
0x153: {  	[tilespmem:$0x510] =	vst v7  }
0x154: {  	[tilespmem:$0x520] =	vst v8  }
0x155: {  	[tilespmem:s2], [sflag:$0x8] =	stream.indirect.gather [spmem:s3], $0x80, s20, s19, $0xb8;
	[tilespmem:$0x18E00] =	vst v63  }
.Ltmp13:
0x156: {  	_ = 	snop;
	(pc) =	sbr.rel @p0 .LBB2_20-.Ltmp13, $4  }
0x157: {  	_ =	swait.ge [sflag:s22], $0x2800  }
0x158: {  	[sflag:s22] =	ssyncset.done $0x0  }
0x159: {  	[sflag:s22] =	ssyncadd.s32 $0xFFFFD800  }
0x15a: {  	[hbm4b:s30+s4] =	stream.linear.scatter [tilespmem:s2], [sflag:$0x8], $0x2800, $0x38;
	[tilespmem:$0x18E00] =	vst v63  }
.LBB2_21:
0x15b: {  	_ =	swait.ge [sflag:s22], $0x2800  }
0x15c: {  	s6 =	rddreg [dreg:$0xe]  }
0x15d: {  	s5 =	rddreg [dreg:$0xb];
	s6 =	sadd.s32 $0x1, s6  }
0x15e: {  	p0 =	sne.s32 s6, s5  }
.Ltmp14:
0x15f: {  	_ = 	snop;
	(pc) =	sbr.rel @p0 .LBB2_1-.Ltmp14, $3  }
0x160: {  	_ =	sdelay $0x1  }
0x161: {  	[sflag:s22] =	ssyncset.done $0x0  }
0x162: {  	s11 =	simm.s32 $0x80;
	[sflag:s22] =	ssyncadd.s32 $0xFFFFD800  }
0x163: {  	_ =	sfence.sel $0x180000  }
0x164: {  	[bflag:$0x0] =	sbarrier.arrive $0xFFFF  }
0x165: {  	_ =	strace $0x90000047  }
0x166: {  	s0 =	stileid.u32;
	[bflag:$0x2] =	sbarrier.arrive $0xFFFF  }
0x167: {  	p0 =	sne.s32 s0, $0x0;
	s0 =	rddreg [dreg:$0x4]  }
0x168: {  	s0 =	sadd.s32 @!p0 $0x100000, s0  }
0x169: {  	[sflag:s0] =	ssyncadd.tile.s32 @!p0 $0x1;
	_ =	shalt  }
.Lfunc_end2:
_tile_overlayer_lowered:
.L_overlay_start_2:
0x16a: {  	(tag) =	ssettag $0x2  }
0x16b: {  	s0 =	rddreg [dreg:$0x0];
	s2 =	stileid.u32  }
0x16c: {  	s1 =	rddreg [dreg:$0x1];
	p0 =	sne.s32 s2, $0x0  }
0x16d: {  	s3 =	rddreg [dreg:$0x2];
	[bflag:$0x3] =	sbarrier.arrive $0xFFFF;
	s2 =	simm.s32 @!p0 $0x1C08  }
0x16e: {  	[timem:s3], [sflag:s2] =	dma.local @!p0 [hbm:s0], s1  }
0x16f: {  	s0 =	simm.s32 @!p0 $0x8  }
0x170: {  	_ =	swait.ge @!p0 [sflag:s0], s1  }
0x171: {  	s1 =	ssub.s32 @!p0 $0x0, s1;
	[sflag:s0] =	ssyncset.done @!p0 $0x0  }
0x172: {  	[sflag:s0] =	ssyncadd.s32 @!p0 s1  }
0x173: {  	[bflag:$0x3] =	sbarrier.arrive $0xFFFF  }
0x174: {  	_ =	shalt  }

</sc_bundles>
